<compile_context>
chip_gen: v7x
topology: tpu7x:2x2x1
jax: 0.10.2.dev20260603
libtpu: 0.0.44.dev20260713+nightly
codegen_flags: <defaults>
</compile_context>

<pallas_src>
import jax
import jax.numpy as jnp
from jax import lax
from jax.experimental import pallas as pl
from jax.experimental.pallas import tpu as pltpu
from jax.experimental.pallas import tpu_sc as plsc

EMB = 32
SEQ = 200
NC = 2
NS = 16
NW = NC * NS
CHUNK = 800
REPS = CHUNK // SEQ


def _worker_id():
    return lax.axis_index("s") * NC + lax.axis_index("c")


def _body(x_hbm, table_hbm, pos_hbm, out_hbm,
          idx0, idx1, buf0, buf1, pos_v, gsem0, gsem1, wsem0, wsem1):
    rows_per_worker = x_hbm.shape[0] // NW
    n_chunks = rows_per_worker // CHUNK
    wid = _worker_id()
    base = wid * rows_per_worker

    slots = ((idx0, buf0, gsem0, wsem0), (idx1, buf1, gsem1, wsem1))

    def issue_gather(c, slot):
        idx_r, buf_r, gs, _ = slots[slot]
        start = base + c * CHUNK
        pltpu.sync_copy(x_hbm.at[pl.ds(start, CHUNK)], idx_r)
        pltpu.async_copy(table_hbm.at[idx_r], buf_r, gs)

    def wait_gather(slot):
        idx_r, buf_r, gs, _ = slots[slot]
        pltpu.make_async_copy(table_hbm.at[idx_r], buf_r, gs).wait()

    def issue_wb(c, slot):
        _, buf_r, _, ws = slots[slot]
        start = base + c * CHUNK
        pltpu.async_copy(buf_r, out_hbm.at[pl.ds(start, CHUNK)], ws)

    def wait_wb(slot):
        _, buf_r, _, ws = slots[slot]
        pltpu.make_async_copy(buf_r, out_hbm.at[pl.ds(base, CHUNK)], ws).wait()

    def add_pos(buf_r):
        def body_j(j, carry):
            p0 = pos_v[j, pl.ds(0, 16)]
            p1 = pos_v[j, pl.ds(16, 16)]
            for rep in range(REPS):
                i = rep * SEQ + j
                buf_r[i, pl.ds(0, 16)] += p0
                buf_r[i, pl.ds(16, 16)] += p1
            return carry

        lax.fori_loop(0, SEQ, body_j, 0)

    pltpu.sync_copy(pos_hbm.at[pl.ds(0, SEQ)], pos_v)
    issue_gather(0, 0)

    def pair_body(g, carry):
        for b in range(2):
            c = 2 * g + b

            @pl.when(c + 1 < n_chunks)
            def _():
                @pl.when(c >= 1)
                def _():
                    wait_wb(1 - b)

                issue_gather(c + 1, 1 - b)

            wait_gather(b)
            add_pos(slots[b][1])
            issue_wb(c, b)
        return carry

    lax.fori_loop(0, n_chunks // 2, pair_body, 0)
    wait_wb(0)
    wait_wb(1)


def _make_sc_call(n_rows):
    mesh = plsc.VectorSubcoreMesh(core_axis_name="c", subcore_axis_name="s")
    return pl.kernel(
        _body,
        out_type=jax.ShapeDtypeStruct((n_rows, EMB), jnp.float32),
        mesh=mesh,
        scratch_types=[
            pltpu.VMEM((CHUNK,), jnp.int32),
            pltpu.VMEM((CHUNK,), jnp.int32),
            pltpu.VMEM((CHUNK, EMB), jnp.float32),
            pltpu.VMEM((CHUNK, EMB), jnp.float32),
            pltpu.VMEM((SEQ, EMB), jnp.float32),
            pltpu.SemaphoreType.DMA,
            pltpu.SemaphoreType.DMA,
            pltpu.SemaphoreType.DMA,
            pltpu.SemaphoreType.DMA,
        ],
        compiler_params=pltpu.CompilerParams(use_tc_tiling_on_sc=False),
    )


def kernel(x, token_table, pos_table):
    b, l = x.shape
    n = b * l
    x_flat = x.reshape(n).astype(jnp.int32)
    out = _make_sc_call(n)(x_flat, token_table, pos_table)
    return out.reshape(b, l, EMB)

# --- scband reference (transcript-rebuilt; emitter-appended) ---
"""Pipeline reference for scband-mbert-embeddings-25958782337735 (READ-ONLY COPY).

The authoritative reference and input builder live on the scoring server;
editing this copy changes nothing except your own understanding.
"""

import jax, jax.numpy as jnp
import numpy as np

VOCAB = 1000000
EMB = 32
BATCH = 4096
SEQ = 200
MAX_POS = 512

def setup_inputs(seed: int = 0) -> dict:
    key = jax.random.key(seed)
    k1, k2, k3 = jax.random.split(key, 3)
    x = jax.random.randint(k1, (BATCH, SEQ), 0, VOCAB, dtype=jnp.int64 if jax.config.jax_enable_x64 else jnp.int32)
    token_table = jax.random.normal(k2, (VOCAB, EMB), dtype=jnp.float32) * 0.02
    pos_table = jax.random.normal(k3, (MAX_POS, EMB), dtype=jnp.float32) * 0.02
    return {"x": x, "token_table": token_table, "pos_table": pos_table}

def reference(x, token_table, pos_table):
    # TokenEmbedding: gather rows from the token table
    tok = jnp.take(token_table, x, axis=0)  # [B, L, E]
    # PositionEmbedding: learned positional embeddings for positions 0..L-1
    L = x.shape[1]
    pos = pos_table[:L][None, :, :]  # [1, L, E]
    out = tok + pos
    # nn.Dropout(0.01) in eval mode is identity
    return out

if __name__ == "__main__":
    import jax
    _d = setup_inputs()
    print(jax.jit(kernel)(*tuple(_d.values())))

</pallas_src>

<mosaic_0001>
#map = affine_map<(d0, d1) -> (0)>
#map1 = affine_map<(d0, d1) -> (0, 0)>
module attributes {stable_mosaic.version = 14 : i64} {
  func.func @_body(%arg0: i32, %arg1: i32, %arg2: memref<819200xi32, #tpu.memory_space<hbm>>, %arg3: memref<1000000x32xf32, #tpu.memory_space<hbm>>, %arg4: memref<512x32xf32, #tpu.memory_space<hbm>>, %arg5: memref<819200x32xf32, #tpu.memory_space<hbm>>, %arg6: memref<800xi32, #tpu.memory_space<vmem>>, %arg7: memref<800xi32, #tpu.memory_space<vmem>>, %arg8: memref<800x32xf32, #tpu.memory_space<vmem>>, %arg9: memref<800x32xf32, #tpu.memory_space<vmem>>, %arg10: memref<200x32xf32, #tpu.memory_space<vmem>>, %arg11: memref<!tpu.dma_semaphore, #tpu.memory_space<semaphore_mem>>, %arg12: memref<!tpu.dma_semaphore, #tpu.memory_space<semaphore_mem>>, %arg13: memref<!tpu.dma_semaphore, #tpu.memory_space<semaphore_mem>>, %arg14: memref<!tpu.dma_semaphore, #tpu.memory_space<semaphore_mem>>) attributes {dimension_semantics = [#tpu.dimension_semantics<core_parallel>, #tpu.dimension_semantics<subcore_parallel>], iteration_bounds = array<i64: 2, 16>, scalar_prefetch = 0 : i64, scratch_operands = 9 : i64, tpu.core_type = #tpu.core_type<sc_vector_subcore>, window_params = [{transform_indices = #map}, {transform_indices = #map1}, {transform_indices = #map1}, {transform_indices = #map1}]} {
    %mul3A = arith.constant 2 : i32
    %mul3A_0 = arith.muli %arg1, %mul3A : i32
    %add3A = arith.addi %mul3A_0, %arg0 : i32
    %mul3A_1 = arith.constant 25600 : i32
    %mul3A_2 = arith.muli %add3A, %mul3A_1 : i32
    "tpu.region"() ({
      %run_scoped3A = tpu.sem_alloc : memref<!tpu.dma_semaphore, #tpu.memory_space<semaphore_mem>>
      %dma_start3A_19 = arith.constant 0 : i32
      %dma_start3A_20 = arith.constant 0 : i32
      %dma_start3A_21 = tpu.memref_slice %arg4[%dma_start3A_19, %dma_start3A_20] : memref<512x32xf32, #tpu.memory_space<hbm>> -> memref<200x32xf32, #tpu.memory_space<hbm>>
      %dma_start3A_22 = arith.constant 0 : i32
      %dma_start3A_23 = arith.constant 0 : i32
      %dma_start3A_24 = tpu.memref_slice %arg4[%dma_start3A_22, %dma_start3A_23] : memref<512x32xf32, #tpu.memory_space<hbm>> -> memref<200x32xf32, #tpu.memory_space<hbm>>
      tpu.enqueue_dma source(%dma_start3A_24 : memref<200x32xf32, #tpu.memory_space<hbm>>) target(%arg10 : memref<200x32xf32, #tpu.memory_space<vmem>>) target_semaphore(%run_scoped3A : memref<!tpu.dma_semaphore, #tpu.memory_space<semaphore_mem>>)
      %dma_wait3A_25 = arith.constant 0 : i32
      %dma_wait3A_26 = arith.constant 0 : i32
      %dma_wait3A_27 = tpu.memref_slice %arg4[%dma_wait3A_25, %dma_wait3A_26] : memref<512x32xf32, #tpu.memory_space<hbm>> -> memref<200x32xf32, #tpu.memory_space<hbm>>
      %dma_wait3A_28 = arith.constant 0 : i32
      %dma_wait3A_29 = arith.constant 0 : i32
      %dma_wait3A_30 = tpu.memref_slice %arg4[%dma_wait3A_28, %dma_wait3A_29] : memref<512x32xf32, #tpu.memory_space<hbm>> -> memref<200x32xf32, #tpu.memory_space<hbm>>
      tpu.wait_dma2 semaphore(%run_scoped3A : memref<!tpu.dma_semaphore, #tpu.memory_space<semaphore_mem>>) src(%dma_wait3A_30 : memref<200x32xf32, #tpu.memory_space<hbm>>) dst(%arg10 : memref<200x32xf32, #tpu.memory_space<vmem>>)
      tpu.yield
    }) : () -> ()
    %add3A_3 = arith.constant 0 : i32
    %add3A_4 = arith.addi %mul3A_2, %add3A_3 : i32
    "tpu.region"() ({
      %run_scoped3A = tpu.sem_alloc : memref<!tpu.dma_semaphore, #tpu.memory_space<semaphore_mem>>
      %dma_start3A_19 = tpu.memref_slice %arg2[%add3A_4] : memref<819200xi32, #tpu.memory_space<hbm>> -> memref<800xi32, #tpu.memory_space<hbm>>
      %dma_start3A_20 = tpu.memref_slice %arg2[%add3A_4] : memref<819200xi32, #tpu.memory_space<hbm>> -> memref<800xi32, #tpu.memory_space<hbm>>
      tpu.enqueue_dma source(%dma_start3A_20 : memref<800xi32, #tpu.memory_space<hbm>>) target(%arg6 : memref<800xi32, #tpu.memory_space<vmem>>) target_semaphore(%run_scoped3A : memref<!tpu.dma_semaphore, #tpu.memory_space<semaphore_mem>>)
      %dma_wait3A_21 = tpu.memref_slice %arg2[%add3A_4] : memref<819200xi32, #tpu.memory_space<hbm>> -> memref<800xi32, #tpu.memory_space<hbm>>
      %dma_wait3A_22 = tpu.memref_slice %arg2[%add3A_4] : memref<819200xi32, #tpu.memory_space<hbm>> -> memref<800xi32, #tpu.memory_space<hbm>>
      tpu.wait_dma2 semaphore(%run_scoped3A : memref<!tpu.dma_semaphore, #tpu.memory_space<semaphore_mem>>) src(%dma_wait3A_22 : memref<800xi32, #tpu.memory_space<hbm>>) dst(%arg6 : memref<800xi32, #tpu.memory_space<vmem>>)
      tpu.yield
    }) : () -> ()
    %dma_start3A = arith.constant 0 : i32
    %dma_start3A_5 = arith.constant 0 : i32
    %dma_start3A_6 = tpu.memref_slice %arg3[%dma_start3A, %dma_start3A_5] : memref<1000000x32xf32, #tpu.memory_space<hbm>> -> memref<1000000x32xf32, #tpu.memory_space<hbm>>
    tpu.enqueue_indirect_dma source(%dma_start3A_6 : memref<1000000x32xf32, #tpu.memory_space<hbm>>) target(%arg8 : memref<800x32xf32, #tpu.memory_space<vmem>>) offsets(%arg6 : memref<800xi32, #tpu.memory_space<vmem>>) semaphore(%arg11 : memref<!tpu.dma_semaphore, #tpu.memory_space<semaphore_mem>>)
    %scan3A = arith.constant 0 : i32
    %scan3A_7 = arith.constant 0 : i32
    %scan3A_8 = arith.constant 16 : i32
    %scan3A_9 = arith.addi %scan3A_7, %scan3A_8 : i32
    %scan3A_10 = arith.constant 1 : i32
    scf.for %scan3A_19 = %scan3A_7 to %scan3A_9 step %scan3A_10  : i32 {
      %mul3A_20 = arith.constant 2 : i32
      %mul3A_21 = arith.muli %mul3A_20, %scan3A_19 : i32
      %add3A_22 = arith.constant 0 : i32
      %add3A_23 = arith.addi %mul3A_21, %add3A_22 : i32
      %add3A_24 = arith.constant 1 : i32
      %add3A_25 = arith.addi %add3A_23, %add3A_24 : i32
      %lt3A = arith.constant 32 : i32
      %lt3A_26 = arith.cmpi slt, %add3A_25, %lt3A : i32
      %convert_element_type3A = arith.extui %lt3A_26 : i1 to i32
      %cond3A = arith.constant 0 : i32
      %cond3A_27 = arith.cmpi ne, %convert_element_type3A, %cond3A : i32
      scf.if %cond3A_27 {
        %ge3A = arith.constant 1 : i32
        %ge3A_71 = arith.cmpi sge, %add3A_23, %ge3A : i32
        %convert_element_type3A_72 = arith.extui %ge3A_71 : i1 to i32
        %cond3A_73 = arith.constant 0 : i32
        %cond3A_74 = arith.cmpi ne, %convert_element_type3A_72, %cond3A_73 : i32
        scf.if %cond3A_74 {
          %dma_wait3A_83 = arith.constant 0 : i32
          %dma_wait3A_84 = tpu.memref_slice %arg5[%mul3A_2, %dma_wait3A_83] : memref<819200x32xf32, #tpu.memory_space<hbm>> -> memref<800x32xf32, #tpu.memory_space<hbm>>
          %dma_wait3A_85 = arith.constant 0 : i32
          %dma_wait3A_86 = tpu.memref_slice %arg5[%mul3A_2, %dma_wait3A_85] : memref<819200x32xf32, #tpu.memory_space<hbm>> -> memref<800x32xf32, #tpu.memory_space<hbm>>
          tpu.wait_dma2 semaphore(%arg14 : memref<!tpu.dma_semaphore, #tpu.memory_space<semaphore_mem>>) src(%arg9 : memref<800x32xf32, #tpu.memory_space<vmem>>) dst(%dma_wait3A_86 : memref<800x32xf32, #tpu.memory_space<hbm>>)
        } else {
        }
        %add3A_75 = arith.constant 1 : i32
        %add3A_76 = arith.addi %add3A_23, %add3A_75 : i32
        %mul3A_77 = arith.constant 800 : i32
        %mul3A_78 = arith.muli %add3A_76, %mul3A_77 : i32
        %add3A_79 = arith.addi %mul3A_2, %mul3A_78 : i32
        "tpu.region"() ({
          %run_scoped3A = tpu.sem_alloc : memref<!tpu.dma_semaphore, #tpu.memory_space<semaphore_mem>>
          %dma_start3A_83 = tpu.memref_slice %arg2[%add3A_79] : memref<819200xi32, #tpu.memory_space<hbm>> -> memref<800xi32, #tpu.memory_space<hbm>>
          %dma_start3A_84 = tpu.memref_slice %arg2[%add3A_79] : memref<819200xi32, #tpu.memory_space<hbm>> -> memref<800xi32, #tpu.memory_space<hbm>>
          tpu.enqueue_dma source(%dma_start3A_84 : memref<800xi32, #tpu.memory_space<hbm>>) target(%arg7 : memref<800xi32, #tpu.memory_space<vmem>>) target_semaphore(%run_scoped3A : memref<!tpu.dma_semaphore, #tpu.memory_space<semaphore_mem>>)
          %dma_wait3A_85 = tpu.memref_slice %arg2[%add3A_79] : memref<819200xi32, #tpu.memory_space<hbm>> -> memref<800xi32, #tpu.memory_space<hbm>>
          %dma_wait3A_86 = tpu.memref_slice %arg2[%add3A_79] : memref<819200xi32, #tpu.memory_space<hbm>> -> memref<800xi32, #tpu.memory_space<hbm>>
          tpu.wait_dma2 semaphore(%run_scoped3A : memref<!tpu.dma_semaphore, #tpu.memory_space<semaphore_mem>>) src(%dma_wait3A_86 : memref<800xi32, #tpu.memory_space<hbm>>) dst(%arg7 : memref<800xi32, #tpu.memory_space<vmem>>)
          tpu.yield
        }) : () -> ()
        %dma_start3A_80 = arith.constant 0 : i32
        %dma_start3A_81 = arith.constant 0 : i32
        %dma_start3A_82 = tpu.memref_slice %arg3[%dma_start3A_80, %dma_start3A_81] : memref<1000000x32xf32, #tpu.memory_space<hbm>> -> memref<1000000x32xf32, #tpu.memory_space<hbm>>
        tpu.enqueue_indirect_dma source(%dma_start3A_82 : memref<1000000x32xf32, #tpu.memory_space<hbm>>) target(%arg9 : memref<800x32xf32, #tpu.memory_space<vmem>>) offsets(%arg7 : memref<800xi32, #tpu.memory_space<vmem>>) semaphore(%arg12 : memref<!tpu.dma_semaphore, #tpu.memory_space<semaphore_mem>>)
      } else {
      }
      %dma_wait3A_28 = arith.constant 0 : i32
      %dma_wait3A_29 = arith.constant 0 : i32
      %dma_wait3A_30 = tpu.memref_slice %arg3[%dma_wait3A_28, %dma_wait3A_29] : memref<1000000x32xf32, #tpu.memory_space<hbm>> -> memref<1000000x32xf32, #tpu.memory_space<hbm>>
      tpu.wait_indirect_dma semaphore(%arg11 : memref<!tpu.dma_semaphore, #tpu.memory_space<semaphore_mem>>) src(%dma_wait3A_30 : memref<1000000x32xf32, #tpu.memory_space<hbm>>) dst(%arg8 : memref<800x32xf32, #tpu.memory_space<vmem>>)
      %scan3A_31 = arith.constant 0 : i32
      %scan3A_32 = arith.constant 0 : i32
      %scan3A_33 = arith.constant 200 : i32
      %scan3A_34 = arith.addi %scan3A_32, %scan3A_33 : i32
      %scan3A_35 = arith.constant 1 : i32
      scf.for %scan3A_71 = %scan3A_32 to %scan3A_34 step %scan3A_35  : i32 {
        %get3A = arith.index_cast %scan3A_71 : i32 to index
        %get3A_72 = arith.constant 0 : index
        %get3A_73 = tpu.vector_load %arg10[%get3A, %get3A_72] {strides = array<i32>} : memref<200x32xf32, #tpu.memory_space<vmem>>, vector<1x16xf32>,
        %get3A_74 = vector.shape_cast %get3A_73 : vector<1x16xf32> to vector<16xf32>
        %get3A_75 = arith.index_cast %scan3A_71 : i32 to index
        %get3A_76 = arith.constant 16 : index
        %get3A_77 = tpu.vector_load %arg10[%get3A_75, %get3A_76] {strides = array<i32>} : memref<200x32xf32, #tpu.memory_space<vmem>>, vector<1x16xf32>,
        %get3A_78 = vector.shape_cast %get3A_77 : vector<1x16xf32> to vector<16xf32>
        %add3A_79 = arith.constant 0 : i32
        %add3A_80 = arith.addi %add3A_79, %scan3A_71 : i32
        %get3A_81 = arith.index_cast %add3A_80 : i32 to index
        %get3A_82 = arith.constant 0 : index
        %get3A_83 = tpu.vector_load %arg8[%get3A_81, %get3A_82] {strides = array<i32>} : memref<800x32xf32, #tpu.memory_space<vmem>>, vector<1x16xf32>,
        %get3A_84 = vector.shape_cast %get3A_83 : vector<1x16xf32> to vector<16xf32>
        %add3A_85 = arith.addf %get3A_84, %get3A_74 : vector<16xf32>
        %swap3A = arith.index_cast %add3A_80 : i32 to index
        %swap3A_86 = arith.constant 0 : index
        %swap3A_87 = tpu.vector_load %arg8[%swap3A, %swap3A_86] {strides = array<i32>} : memref<800x32xf32, #tpu.memory_space<vmem>>, vector<1x16xf32>,
        %swap3A_88 = vector.shape_cast %swap3A_87 : vector<1x16xf32> to vector<16xf32>
        %swap3A_89 = vector.shape_cast %add3A_85 : vector<16xf32> to vector<1x16xf32>
        tpu.vector_store %arg8[%swap3A, %swap3A_86], %swap3A_89 {strides = array<i32>} : memref<800x32xf32, #tpu.memory_space<vmem>>, vector<1x16xf32>,
        %get3A_90 = arith.index_cast %add3A_80 : i32 to index
        %get3A_91 = arith.constant 16 : index
        %get3A_92 = tpu.vector_load %arg8[%get3A_90, %get3A_91] {strides = array<i32>} : memref<800x32xf32, #tpu.memory_space<vmem>>, vector<1x16xf32>,
        %get3A_93 = vector.shape_cast %get3A_92 : vector<1x16xf32> to vector<16xf32>
        %add3A_94 = arith.addf %get3A_93, %get3A_78 : vector<16xf32>
        %swap3A_95 = arith.index_cast %add3A_80 : i32 to index
        %swap3A_96 = arith.constant 16 : index
        %swap3A_97 = tpu.vector_load %arg8[%swap3A_95, %swap3A_96] {strides = array<i32>} : memref<800x32xf32, #tpu.memory_space<vmem>>, vector<1x16xf32>,
        %swap3A_98 = vector.shape_cast %swap3A_97 : vector<1x16xf32> to vector<16xf32>
        %swap3A_99 = vector.shape_cast %add3A_94 : vector<16xf32> to vector<1x16xf32>
        tpu.vector_store %arg8[%swap3A_95, %swap3A_96], %swap3A_99 {strides = array<i32>} : memref<800x32xf32, #tpu.memory_space<vmem>>, vector<1x16xf32>,
        %add3A_100 = arith.constant 200 : i32
        %add3A_101 = arith.addi %add3A_100, %scan3A_71 : i32
        %get3A_102 = arith.index_cast %add3A_101 : i32 to index
        %get3A_103 = arith.constant 0 : index
        %get3A_104 = tpu.vector_load %arg8[%get3A_102, %get3A_103] {strides = array<i32>} : memref<800x32xf32, #tpu.memory_space<vmem>>, vector<1x16xf32>,
        %get3A_105 = vector.shape_cast %get3A_104 : vector<1x16xf32> to vector<16xf32>
        %add3A_106 = arith.addf %get3A_105, %get3A_74 : vector<16xf32>
        %swap3A_107 = arith.index_cast %add3A_101 : i32 to index
        %swap3A_108 = arith.constant 0 : index
        %swap3A_109 = tpu.vector_load %arg8[%swap3A_107, %swap3A_108] {strides = array<i32>} : memref<800x32xf32, #tpu.memory_space<vmem>>, vector<1x16xf32>,
        %swap3A_110 = vector.shape_cast %swap3A_109 : vector<1x16xf32> to vector<16xf32>
        %swap3A_111 = vector.shape_cast %add3A_106 : vector<16xf32> to vector<1x16xf32>
        tpu.vector_store %arg8[%swap3A_107, %swap3A_108], %swap3A_111 {strides = array<i32>} : memref<800x32xf32, #tpu.memory_space<vmem>>, vector<1x16xf32>,
        %get3A_112 = arith.index_cast %add3A_101 : i32 to index
        %get3A_113 = arith.constant 16 : index
        %get3A_114 = tpu.vector_load %arg8[%get3A_112, %get3A_113] {strides = array<i32>} : memref<800x32xf32, #tpu.memory_space<vmem>>, vector<1x16xf32>,
        %get3A_115 = vector.shape_cast %get3A_114 : vector<1x16xf32> to vector<16xf32>
        %add3A_116 = arith.addf %get3A_115, %get3A_78 : vector<16xf32>
        %swap3A_117 = arith.index_cast %add3A_101 : i32 to index
        %swap3A_118 = arith.constant 16 : index
        %swap3A_119 = tpu.vector_load %arg8[%swap3A_117, %swap3A_118] {strides = array<i32>} : memref<800x32xf32, #tpu.memory_space<vmem>>, vector<1x16xf32>,
        %swap3A_120 = vector.shape_cast %swap3A_119 : vector<1x16xf32> to vector<16xf32>
        %swap3A_121 = vector.shape_cast %add3A_116 : vector<16xf32> to vector<1x16xf32>
        tpu.vector_store %arg8[%swap3A_117, %swap3A_118], %swap3A_121 {strides = array<i32>} : memref<800x32xf32, #tpu.memory_space<vmem>>, vector<1x16xf32>,
        %add3A_122 = arith.constant 400 : i32
        %add3A_123 = arith.addi %add3A_122, %scan3A_71 : i32
        %get3A_124 = arith.index_cast %add3A_123 : i32 to index
        %get3A_125 = arith.constant 0 : index
        %get3A_126 = tpu.vector_load %arg8[%get3A_124, %get3A_125] {strides = array<i32>} : memref<800x32xf32, #tpu.memory_space<vmem>>, vector<1x16xf32>,
        %get3A_127 = vector.shape_cast %get3A_126 : vector<1x16xf32> to vector<16xf32>
        %add3A_128 = arith.addf %get3A_127, %get3A_74 : vector<16xf32>
        %swap3A_129 = arith.index_cast %add3A_123 : i32 to index
        %swap3A_130 = arith.constant 0 : index
        %swap3A_131 = tpu.vector_load %arg8[%swap3A_129, %swap3A_130] {strides = array<i32>} : memref<800x32xf32, #tpu.memory_space<vmem>>, vector<1x16xf32>,
        %swap3A_132 = vector.shape_cast %swap3A_131 : vector<1x16xf32> to vector<16xf32>
        %swap3A_133 = vector.shape_cast %add3A_128 : vector<16xf32> to vector<1x16xf32>
        tpu.vector_store %arg8[%swap3A_129, %swap3A_130], %swap3A_133 {strides = array<i32>} : memref<800x32xf32, #tpu.memory_space<vmem>>, vector<1x16xf32>,
        %get3A_134 = arith.index_cast %add3A_123 : i32 to index
        %get3A_135 = arith.constant 16 : index
        %get3A_136 = tpu.vector_load %arg8[%get3A_134, %get3A_135] {strides = array<i32>} : memref<800x32xf32, #tpu.memory_space<vmem>>, vector<1x16xf32>,
        %get3A_137 = vector.shape_cast %get3A_136 : vector<1x16xf32> to vector<16xf32>
        %add3A_138 = arith.addf %get3A_137, %get3A_78 : vector<16xf32>
        %swap3A_139 = arith.index_cast %add3A_123 : i32 to index
        %swap3A_140 = arith.constant 16 : index
        %swap3A_141 = tpu.vector_load %arg8[%swap3A_139, %swap3A_140] {strides = array<i32>} : memref<800x32xf32, #tpu.memory_space<vmem>>, vector<1x16xf32>,
        %swap3A_142 = vector.shape_cast %swap3A_141 : vector<1x16xf32> to vector<16xf32>
        %swap3A_143 = vector.shape_cast %add3A_138 : vector<16xf32> to vector<1x16xf32>
        tpu.vector_store %arg8[%swap3A_139, %swap3A_140], %swap3A_143 {strides = array<i32>} : memref<800x32xf32, #tpu.memory_space<vmem>>, vector<1x16xf32>,
        %add3A_144 = arith.constant 600 : i32
        %add3A_145 = arith.addi %add3A_144, %scan3A_71 : i32
        %get3A_146 = arith.index_cast %add3A_145 : i32 to index
        %get3A_147 = arith.constant 0 : index
        %get3A_148 = tpu.vector_load %arg8[%get3A_146, %get3A_147] {strides = array<i32>} : memref<800x32xf32, #tpu.memory_space<vmem>>, vector<1x16xf32>,
        %get3A_149 = vector.shape_cast %get3A_148 : vector<1x16xf32> to vector<16xf32>
        %add3A_150 = arith.addf %get3A_149, %get3A_74 : vector<16xf32>
        %swap3A_151 = arith.index_cast %add3A_145 : i32 to index
        %swap3A_152 = arith.constant 0 : index
        %swap3A_153 = tpu.vector_load %arg8[%swap3A_151, %swap3A_152] {strides = array<i32>} : memref<800x32xf32, #tpu.memory_space<vmem>>, vector<1x16xf32>,
        %swap3A_154 = vector.shape_cast %swap3A_153 : vector<1x16xf32> to vector<16xf32>
        %swap3A_155 = vector.shape_cast %add3A_150 : vector<16xf32> to vector<1x16xf32>
        tpu.vector_store %arg8[%swap3A_151, %swap3A_152], %swap3A_155 {strides = array<i32>} : memref<800x32xf32, #tpu.memory_space<vmem>>, vector<1x16xf32>,
        %get3A_156 = arith.index_cast %add3A_145 : i32 to index
        %get3A_157 = arith.constant 16 : index
        %get3A_158 = tpu.vector_load %arg8[%get3A_156, %get3A_157] {strides = array<i32>} : memref<800x32xf32, #tpu.memory_space<vmem>>, vector<1x16xf32>,
        %get3A_159 = vector.shape_cast %get3A_158 : vector<1x16xf32> to vector<16xf32>
        %add3A_160 = arith.addf %get3A_159, %get3A_78 : vector<16xf32>
        %swap3A_161 = arith.index_cast %add3A_145 : i32 to index
        %swap3A_162 = arith.constant 16 : index
        %swap3A_163 = tpu.vector_load %arg8[%swap3A_161, %swap3A_162] {strides = array<i32>} : memref<800x32xf32, #tpu.memory_space<vmem>>, vector<1x16xf32>,
        %swap3A_164 = vector.shape_cast %swap3A_163 : vector<1x16xf32> to vector<16xf32>
        %swap3A_165 = vector.shape_cast %add3A_160 : vector<16xf32> to vector<1x16xf32>
        tpu.vector_store %arg8[%swap3A_161, %swap3A_162], %swap3A_165 {strides = array<i32>} : memref<800x32xf32, #tpu.memory_space<vmem>>, vector<1x16xf32>,
      }
      %scan3A_36 = arith.constant 200 : i32
      %mul3A_37 = arith.constant 800 : i32
      %mul3A_38 = arith.muli %add3A_23, %mul3A_37 : i32
      %add3A_39 = arith.addi %mul3A_2, %mul3A_38 : i32
      %dma_start3A_40 = arith.constant 0 : i32
      %dma_start3A_41 = tpu.memref_slice %arg5[%add3A_39, %dma_start3A_40] : memref<819200x32xf32, #tpu.memory_space<hbm>> -> memref<800x32xf32, #tpu.memory_space<hbm>>
      %dma_start3A_42 = arith.constant 0 : i32
      %dma_start3A_43 = tpu.memref_slice %arg5[%add3A_39, %dma_start3A_42] : memref<819200x32xf32, #tpu.memory_space<hbm>> -> memref<800x32xf32, #tpu.memory_space<hbm>>
      tpu.enqueue_dma source(%arg8 : memref<800x32xf32, #tpu.memory_space<vmem>>) target(%dma_start3A_43 : memref<800x32xf32, #tpu.memory_space<hbm>>) target_semaphore(%arg13 : memref<!tpu.dma_semaphore, #tpu.memory_space<semaphore_mem>>)
      %mul3A_44 = arith.constant 2 : i32
      %mul3A_45 = arith.muli %mul3A_44, %scan3A_19 : i32
      %add3A_46 = arith.constant 1 : i32
      %add3A_47 = arith.addi %mul3A_45, %add3A_46 : i32
      %add3A_48 = arith.constant 1 : i32
      %add3A_49 = arith.addi %add3A_47, %add3A_48 : i32
      %lt3A_50 = arith.constant 32 : i32
      %lt3A_51 = arith.cmpi slt, %add3A_49, %lt3A_50 : i32
      %convert_element_type3A_52 = arith.extui %lt3A_51 : i1 to i32
      %cond3A_53 = arith.constant 0 : i32
      %cond3A_54 = arith.cmpi ne, %convert_element_type3A_52, %cond3A_53 : i32
      scf.if %cond3A_54 {
        %ge3A = arith.constant 1 : i32
        %ge3A_71 = arith.cmpi sge, %add3A_47, %ge3A : i32
        %convert_element_type3A_72 = arith.extui %ge3A_71 : i1 to i32
        %cond3A_73 = arith.constant 0 : i32
        %cond3A_74 = arith.cmpi ne, %convert_element_type3A_72, %cond3A_73 : i32
        scf.if %cond3A_74 {
          %dma_wait3A_83 = arith.constant 0 : i32
          %dma_wait3A_84 = tpu.memref_slice %arg5[%mul3A_2, %dma_wait3A_83] : memref<819200x32xf32, #tpu.memory_space<hbm>> -> memref<800x32xf32, #tpu.memory_space<hbm>>
          %dma_wait3A_85 = arith.constant 0 : i32
          %dma_wait3A_86 = tpu.memref_slice %arg5[%mul3A_2, %dma_wait3A_85] : memref<819200x32xf32, #tpu.memory_space<hbm>> -> memref<800x32xf32, #tpu.memory_space<hbm>>
          tpu.wait_dma2 semaphore(%arg13 : memref<!tpu.dma_semaphore, #tpu.memory_space<semaphore_mem>>) src(%arg8 : memref<800x32xf32, #tpu.memory_space<vmem>>) dst(%dma_wait3A_86 : memref<800x32xf32, #tpu.memory_space<hbm>>)
        } else {
        }
        %add3A_75 = arith.constant 1 : i32
        %add3A_76 = arith.addi %add3A_47, %add3A_75 : i32
        %mul3A_77 = arith.constant 800 : i32
        %mul3A_78 = arith.muli %add3A_76, %mul3A_77 : i32
        %add3A_79 = arith.addi %mul3A_2, %mul3A_78 : i32
        "tpu.region"() ({
          %run_scoped3A = tpu.sem_alloc : memref<!tpu.dma_semaphore, #tpu.memory_space<semaphore_mem>>
          %dma_start3A_83 = tpu.memref_slice %arg2[%add3A_79] : memref<819200xi32, #tpu.memory_space<hbm>> -> memref<800xi32, #tpu.memory_space<hbm>>
          %dma_start3A_84 = tpu.memref_slice %arg2[%add3A_79] : memref<819200xi32, #tpu.memory_space<hbm>> -> memref<800xi32, #tpu.memory_space<hbm>>
          tpu.enqueue_dma source(%dma_start3A_84 : memref<800xi32, #tpu.memory_space<hbm>>) target(%arg6 : memref<800xi32, #tpu.memory_space<vmem>>) target_semaphore(%run_scoped3A : memref<!tpu.dma_semaphore, #tpu.memory_space<semaphore_mem>>)
          %dma_wait3A_85 = tpu.memref_slice %arg2[%add3A_79] : memref<819200xi32, #tpu.memory_space<hbm>> -> memref<800xi32, #tpu.memory_space<hbm>>
          %dma_wait3A_86 = tpu.memref_slice %arg2[%add3A_79] : memref<819200xi32, #tpu.memory_space<hbm>> -> memref<800xi32, #tpu.memory_space<hbm>>
          tpu.wait_dma2 semaphore(%run_scoped3A : memref<!tpu.dma_semaphore, #tpu.memory_space<semaphore_mem>>) src(%dma_wait3A_86 : memref<800xi32, #tpu.memory_space<hbm>>) dst(%arg6 : memref<800xi32, #tpu.memory_space<vmem>>)
          tpu.yield
        }) : () -> ()
        %dma_start3A_80 = arith.constant 0 : i32
        %dma_start3A_81 = arith.constant 0 : i32
        %dma_start3A_82 = tpu.memref_slice %arg3[%dma_start3A_80, %dma_start3A_81] : memref<1000000x32xf32, #tpu.memory_space<hbm>> -> memref<1000000x32xf32, #tpu.memory_space<hbm>>
        tpu.enqueue_indirect_dma source(%dma_start3A_82 : memref<1000000x32xf32, #tpu.memory_space<hbm>>) target(%arg8 : memref<800x32xf32, #tpu.memory_space<vmem>>) offsets(%arg6 : memref<800xi32, #tpu.memory_space<vmem>>) semaphore(%arg11 : memref<!tpu.dma_semaphore, #tpu.memory_space<semaphore_mem>>)
      } else {
      }
      %dma_wait3A_55 = arith.constant 0 : i32
      %dma_wait3A_56 = arith.constant 0 : i32
      %dma_wait3A_57 = tpu.memref_slice %arg3[%dma_wait3A_55, %dma_wait3A_56] : memref<1000000x32xf32, #tpu.memory_space<hbm>> -> memref<1000000x32xf32, #tpu.memory_space<hbm>>
      tpu.wait_indirect_dma semaphore(%arg12 : memref<!tpu.dma_semaphore, #tpu.memory_space<semaphore_mem>>) src(%dma_wait3A_57 : memref<1000000x32xf32, #tpu.memory_space<hbm>>) dst(%arg9 : memref<800x32xf32, #tpu.memory_space<vmem>>)
      %scan3A_58 = arith.constant 0 : i32
      %scan3A_59 = arith.constant 0 : i32
      %scan3A_60 = arith.constant 200 : i32
      %scan3A_61 = arith.addi %scan3A_59, %scan3A_60 : i32
      %scan3A_62 = arith.constant 1 : i32
      scf.for %scan3A_71 = %scan3A_59 to %scan3A_61 step %scan3A_62  : i32 {
        %get3A = arith.index_cast %scan3A_71 : i32 to index
        %get3A_72 = arith.constant 0 : index
        %get3A_73 = tpu.vector_load %arg10[%get3A, %get3A_72] {strides = array<i32>} : memref<200x32xf32, #tpu.memory_space<vmem>>, vector<1x16xf32>,
        %get3A_74 = vector.shape_cast %get3A_73 : vector<1x16xf32> to vector<16xf32>
        %get3A_75 = arith.index_cast %scan3A_71 : i32 to index
        %get3A_76 = arith.constant 16 : index
        %get3A_77 = tpu.vector_load %arg10[%get3A_75, %get3A_76] {strides = array<i32>} : memref<200x32xf32, #tpu.memory_space<vmem>>, vector<1x16xf32>,
        %get3A_78 = vector.shape_cast %get3A_77 : vector<1x16xf32> to vector<16xf32>
        %add3A_79 = arith.constant 0 : i32
        %add3A_80 = arith.addi %add3A_79, %scan3A_71 : i32
        %get3A_81 = arith.index_cast %add3A_80 : i32 to index
        %get3A_82 = arith.constant 0 : index
        %get3A_83 = tpu.vector_load %arg9[%get3A_81, %get3A_82] {strides = array<i32>} : memref<800x32xf32, #tpu.memory_space<vmem>>, vector<1x16xf32>,
        %get3A_84 = vector.shape_cast %get3A_83 : vector<1x16xf32> to vector<16xf32>
        %add3A_85 = arith.addf %get3A_84, %get3A_74 : vector<16xf32>
        %swap3A = arith.index_cast %add3A_80 : i32 to index
        %swap3A_86 = arith.constant 0 : index
        %swap3A_87 = tpu.vector_load %arg9[%swap3A, %swap3A_86] {strides = array<i32>} : memref<800x32xf32, #tpu.memory_space<vmem>>, vector<1x16xf32>,
        %swap3A_88 = vector.shape_cast %swap3A_87 : vector<1x16xf32> to vector<16xf32>
        %swap3A_89 = vector.shape_cast %add3A_85 : vector<16xf32> to vector<1x16xf32>
        tpu.vector_store %arg9[%swap3A, %swap3A_86], %swap3A_89 {strides = array<i32>} : memref<800x32xf32, #tpu.memory_space<vmem>>, vector<1x16xf32>,
        %get3A_90 = arith.index_cast %add3A_80 : i32 to index
        %get3A_91 = arith.constant 16 : index
        %get3A_92 = tpu.vector_load %arg9[%get3A_90, %get3A_91] {strides = array<i32>} : memref<800x32xf32, #tpu.memory_space<vmem>>, vector<1x16xf32>,
        %get3A_93 = vector.shape_cast %get3A_92 : vector<1x16xf32> to vector<16xf32>
        %add3A_94 = arith.addf %get3A_93, %get3A_78 : vector<16xf32>
        %swap3A_95 = arith.index_cast %add3A_80 : i32 to index
        %swap3A_96 = arith.constant 16 : index
        %swap3A_97 = tpu.vector_load %arg9[%swap3A_95, %swap3A_96] {strides = array<i32>} : memref<800x32xf32, #tpu.memory_space<vmem>>, vector<1x16xf32>,
        %swap3A_98 = vector.shape_cast %swap3A_97 : vector<1x16xf32> to vector<16xf32>
        %swap3A_99 = vector.shape_cast %add3A_94 : vector<16xf32> to vector<1x16xf32>
        tpu.vector_store %arg9[%swap3A_95, %swap3A_96], %swap3A_99 {strides = array<i32>} : memref<800x32xf32, #tpu.memory_space<vmem>>, vector<1x16xf32>,
        %add3A_100 = arith.constant 200 : i32
        %add3A_101 = arith.addi %add3A_100, %scan3A_71 : i32
        %get3A_102 = arith.index_cast %add3A_101 : i32 to index
        %get3A_103 = arith.constant 0 : index
        %get3A_104 = tpu.vector_load %arg9[%get3A_102, %get3A_103] {strides = array<i32>} : memref<800x32xf32, #tpu.memory_space<vmem>>, vector<1x16xf32>,
        %get3A_105 = vector.shape_cast %get3A_104 : vector<1x16xf32> to vector<16xf32>
        %add3A_106 = arith.addf %get3A_105, %get3A_74 : vector<16xf32>
        %swap3A_107 = arith.index_cast %add3A_101 : i32 to index
        %swap3A_108 = arith.constant 0 : index
        %swap3A_109 = tpu.vector_load %arg9[%swap3A_107, %swap3A_108] {strides = array<i32>} : memref<800x32xf32, #tpu.memory_space<vmem>>, vector<1x16xf32>,
        %swap3A_110 = vector.shape_cast %swap3A_109 : vector<1x16xf32> to vector<16xf32>
        %swap3A_111 = vector.shape_cast %add3A_106 : vector<16xf32> to vector<1x16xf32>
        tpu.vector_store %arg9[%swap3A_107, %swap3A_108], %swap3A_111 {strides = array<i32>} : memref<800x32xf32, #tpu.memory_space<vmem>>, vector<1x16xf32>,
        %get3A_112 = arith.index_cast %add3A_101 : i32 to index
        %get3A_113 = arith.constant 16 : index
        %get3A_114 = tpu.vector_load %arg9[%get3A_112, %get3A_113] {strides = array<i32>} : memref<800x32xf32, #tpu.memory_space<vmem>>, vector<1x16xf32>,
        %get3A_115 = vector.shape_cast %get3A_114 : vector<1x16xf32> to vector<16xf32>
        %add3A_116 = arith.addf %get3A_115, %get3A_78 : vector<16xf32>
        %swap3A_117 = arith.index_cast %add3A_101 : i32 to index
        %swap3A_118 = arith.constant 16 : index
        %swap3A_119 = tpu.vector_load %arg9[%swap3A_117, %swap3A_118] {strides = array<i32>} : memref<800x32xf32, #tpu.memory_space<vmem>>, vector<1x16xf32>,
        %swap3A_120 = vector.shape_cast %swap3A_119 : vector<1x16xf32> to vector<16xf32>
        %swap3A_121 = vector.shape_cast %add3A_116 : vector<16xf32> to vector<1x16xf32>
        tpu.vector_store %arg9[%swap3A_117, %swap3A_118], %swap3A_121 {strides = array<i32>} : memref<800x32xf32, #tpu.memory_space<vmem>>, vector<1x16xf32>,
        %add3A_122 = arith.constant 400 : i32
        %add3A_123 = arith.addi %add3A_122, %scan3A_71 : i32
        %get3A_124 = arith.index_cast %add3A_123 : i32 to index
        %get3A_125 = arith.constant 0 : index
        %get3A_126 = tpu.vector_load %arg9[%get3A_124, %get3A_125] {strides = array<i32>} : memref<800x32xf32, #tpu.memory_space<vmem>>, vector<1x16xf32>,
        %get3A_127 = vector.shape_cast %get3A_126 : vector<1x16xf32> to vector<16xf32>
        %add3A_128 = arith.addf %get3A_127, %get3A_74 : vector<16xf32>
        %swap3A_129 = arith.index_cast %add3A_123 : i32 to index
        %swap3A_130 = arith.constant 0 : index
        %swap3A_131 = tpu.vector_load %arg9[%swap3A_129, %swap3A_130] {strides = array<i32>} : memref<800x32xf32, #tpu.memory_space<vmem>>, vector<1x16xf32>,
        %swap3A_132 = vector.shape_cast %swap3A_131 : vector<1x16xf32> to vector<16xf32>
        %swap3A_133 = vector.shape_cast %add3A_128 : vector<16xf32> to vector<1x16xf32>
        tpu.vector_store %arg9[%swap3A_129, %swap3A_130], %swap3A_133 {strides = array<i32>} : memref<800x32xf32, #tpu.memory_space<vmem>>, vector<1x16xf32>,
        %get3A_134 = arith.index_cast %add3A_123 : i32 to index
        %get3A_135 = arith.constant 16 : index
        %get3A_136 = tpu.vector_load %arg9[%get3A_134, %get3A_135] {strides = array<i32>} : memref<800x32xf32, #tpu.memory_space<vmem>>, vector<1x16xf32>,
        %get3A_137 = vector.shape_cast %get3A_136 : vector<1x16xf32> to vector<16xf32>
        %add3A_138 = arith.addf %get3A_137, %get3A_78 : vector<16xf32>
        %swap3A_139 = arith.index_cast %add3A_123 : i32 to index
        %swap3A_140 = arith.constant 16 : index
        %swap3A_141 = tpu.vector_load %arg9[%swap3A_139, %swap3A_140] {strides = array<i32>} : memref<800x32xf32, #tpu.memory_space<vmem>>, vector<1x16xf32>,
        %swap3A_142 = vector.shape_cast %swap3A_141 : vector<1x16xf32> to vector<16xf32>
        %swap3A_143 = vector.shape_cast %add3A_138 : vector<16xf32> to vector<1x16xf32>
        tpu.vector_store %arg9[%swap3A_139, %swap3A_140], %swap3A_143 {strides = array<i32>} : memref<800x32xf32, #tpu.memory_space<vmem>>, vector<1x16xf32>,
        %add3A_144 = arith.constant 600 : i32
        %add3A_145 = arith.addi %add3A_144, %scan3A_71 : i32
        %get3A_146 = arith.index_cast %add3A_145 : i32 to index
        %get3A_147 = arith.constant 0 : index
        %get3A_148 = tpu.vector_load %arg9[%get3A_146, %get3A_147] {strides = array<i32>} : memref<800x32xf32, #tpu.memory_space<vmem>>, vector<1x16xf32>,
        %get3A_149 = vector.shape_cast %get3A_148 : vector<1x16xf32> to vector<16xf32>
        %add3A_150 = arith.addf %get3A_149, %get3A_74 : vector<16xf32>
        %swap3A_151 = arith.index_cast %add3A_145 : i32 to index
        %swap3A_152 = arith.constant 0 : index
        %swap3A_153 = tpu.vector_load %arg9[%swap3A_151, %swap3A_152] {strides = array<i32>} : memref<800x32xf32, #tpu.memory_space<vmem>>, vector<1x16xf32>,
        %swap3A_154 = vector.shape_cast %swap3A_153 : vector<1x16xf32> to vector<16xf32>
        %swap3A_155 = vector.shape_cast %add3A_150 : vector<16xf32> to vector<1x16xf32>
        tpu.vector_store %arg9[%swap3A_151, %swap3A_152], %swap3A_155 {strides = array<i32>} : memref<800x32xf32, #tpu.memory_space<vmem>>, vector<1x16xf32>,
        %get3A_156 = arith.index_cast %add3A_145 : i32 to index
        %get3A_157 = arith.constant 16 : index
        %get3A_158 = tpu.vector_load %arg9[%get3A_156, %get3A_157] {strides = array<i32>} : memref<800x32xf32, #tpu.memory_space<vmem>>, vector<1x16xf32>,
        %get3A_159 = vector.shape_cast %get3A_158 : vector<1x16xf32> to vector<16xf32>
        %add3A_160 = arith.addf %get3A_159, %get3A_78 : vector<16xf32>
        %swap3A_161 = arith.index_cast %add3A_145 : i32 to index
        %swap3A_162 = arith.constant 16 : index
        %swap3A_163 = tpu.vector_load %arg9[%swap3A_161, %swap3A_162] {strides = array<i32>} : memref<800x32xf32, #tpu.memory_space<vmem>>, vector<1x16xf32>,
        %swap3A_164 = vector.shape_cast %swap3A_163 : vector<1x16xf32> to vector<16xf32>
        %swap3A_165 = vector.shape_cast %add3A_160 : vector<16xf32> to vector<1x16xf32>
        tpu.vector_store %arg9[%swap3A_161, %swap3A_162], %swap3A_165 {strides = array<i32>} : memref<800x32xf32, #tpu.memory_space<vmem>>, vector<1x16xf32>,
      }
      %scan3A_63 = arith.constant 200 : i32
      %mul3A_64 = arith.constant 800 : i32
      %mul3A_65 = arith.muli %add3A_47, %mul3A_64 : i32
      %add3A_66 = arith.addi %mul3A_2, %mul3A_65 : i32
      %dma_start3A_67 = arith.constant 0 : i32
      %dma_start3A_68 = tpu.memref_slice %arg5[%add3A_66, %dma_start3A_67] : memref<819200x32xf32, #tpu.memory_space<hbm>> -> memref<800x32xf32, #tpu.memory_space<hbm>>
      %dma_start3A_69 = arith.constant 0 : i32
      %dma_start3A_70 = tpu.memref_slice %arg5[%add3A_66, %dma_start3A_69] : memref<819200x32xf32, #tpu.memory_space<hbm>> -> memref<800x32xf32, #tpu.memory_space<hbm>>
      tpu.enqueue_dma source(%arg9 : memref<800x32xf32, #tpu.memory_space<vmem>>) target(%dma_start3A_70 : memref<800x32xf32, #tpu.memory_space<hbm>>) target_semaphore(%arg14 : memref<!tpu.dma_semaphore, #tpu.memory_space<semaphore_mem>>)
    }
    %scan3A_11 = arith.constant 16 : i32
    %dma_wait3A = arith.constant 0 : i32
    %dma_wait3A_12 = tpu.memref_slice %arg5[%mul3A_2, %dma_wait3A] : memref<819200x32xf32, #tpu.memory_space<hbm>> -> memref<800x32xf32, #tpu.memory_space<hbm>>
    %dma_wait3A_13 = arith.constant 0 : i32
    %dma_wait3A_14 = tpu.memref_slice %arg5[%mul3A_2, %dma_wait3A_13] : memref<819200x32xf32, #tpu.memory_space<hbm>> -> memref<800x32xf32, #tpu.memory_space<hbm>>
    tpu.wait_dma2 semaphore(%arg13 : memref<!tpu.dma_semaphore, #tpu.memory_space<semaphore_mem>>) src(%arg8 : memref<800x32xf32, #tpu.memory_space<vmem>>) dst(%dma_wait3A_14 : memref<800x32xf32, #tpu.memory_space<hbm>>)
    %dma_wait3A_15 = arith.constant 0 : i32
    %dma_wait3A_16 = tpu.memref_slice %arg5[%mul3A_2, %dma_wait3A_15] : memref<819200x32xf32, #tpu.memory_space<hbm>> -> memref<800x32xf32, #tpu.memory_space<hbm>>
    %dma_wait3A_17 = arith.constant 0 : i32
    %dma_wait3A_18 = tpu.memref_slice %arg5[%mul3A_2, %dma_wait3A_17] : memref<819200x32xf32, #tpu.memory_space<hbm>> -> memref<800x32xf32, #tpu.memory_space<hbm>>
    tpu.wait_dma2 semaphore(%arg14 : memref<!tpu.dma_semaphore, #tpu.memory_space<semaphore_mem>>) src(%arg9 : memref<800x32xf32, #tpu.memory_space<vmem>>) dst(%dma_wait3A_18 : memref<800x32xf32, #tpu.memory_space<hbm>>)
    return
  }
}

</mosaic_0001>

<sc_bundles>
// kernel: kernel.3.cloned.1.call-start
scs
__scs_entry_jumppad:
0x0: {  	(pc) =	sbr.rel $0x88, $3  }
0x1: {  	(tag) =	ssettag $0x0;
	lr =	simm.s32 $0x1  }
0x2: {  	[smem:$0x3F9E] =	sst lr;
	_ =	strace $0xD0000000  }
0x3: {  	_ = 	snop  }
0x4: {  	_ = 	snop  }
0x5: {  	_ = 	snop  }
0x6: {  	_ = 	snop  }
0x7: {  	_ = 	snop  }
__scs_overlays_trampoline_lowered:
0x8: {  	[smem:$0x3FAD] =	sst s0  }
0x9: {  	[smem:$0x3FAE] =	sst s1  }
0xa: {  	[smem:$0x3FAF] =	sst s2  }
0xb: {  	[smem:$0x3FB0] =	sst s3  }
0xc: {  	[smem:$0x3FB1] =	sst s4  }
0xd: {  	[smem:$0x3FB2] =	sst s5  }
0xe: {  	[smem:$0x3FB3] =	sst s6  }
0xf: {  	[smem:$0x3FB4] =	sst s7  }
0x10: {  	[smem:$0x3FB5] =	sst s8  }
0x11: {  	[smem:$0x3FB6] =	sst s9;
	s0 =	simm.s32 @!p0 $0x0  }
0x12: {  	s1 =	sld [smem:$0x3F9C];
	s0 =	simm.s32 @p0 $0x1  }
0x13: {  	[smem:$0x3FB7] =	sst s0;
	s0 =	simm.s32 @!p1 $0x0  }
0x14: {  	s2 =	sld [smem:$0x3F9B];
	s0 =	simm.s32 @p1 $0x1  }
0x15: {  	[smem:$0x3FB8] =	sst s0;
	s0 =	simm.s32 @!p2 $0x0  }
0x16: {  	s3 =	sld [smem:$0x3FDB];
	s0 =	simm.s32 @p2 $0x1  }
0x17: {  	s4 =	simm.s32 $0x1BF5;
	[smem:$0x3FBA] =	sst s0  }
0x18: {  	s0 =	sld [smem:$0x3F9D];
	_ =	swait.ge [sflag:s4], $0x0  }
0x19: {  	s7 =	sld [smem:$0x3F9E]  }
0x1a: {  	s8 =	sadd.s32 $0xFFFFE003, lr  }
0x1b: {  	s9 =	sadd.s32 $0xFFFFFEF7, lr;
	s5 =	simm.s32 $0xFFFFFFFF;
	p2 =	slt.u32 s8, $0xFFFFF086  }
0x1c: {  	p1 =	slt.u32 s9, $0xF7A;
	s5 =	simm.s32 @!p2 $0x0  }
0x1d: {  	s5 =	simm.s32 @p1 $0x1;
	p0 =	seq.s32 s7, s2  }
0x1e: {  	s7 =	smul.u32 @!p0 $0xF7A, s2;
	p2 =	seq.s32 @!p0 s5, $0x0  }
0x1f: {  	s9 =	smul.u32 $0xF7A, s1;
	s8 =	simm.s32 @!p0 $0x1BF5;
	p2 =	por !p2, p0  }
0x20: {  	[sflag:s8] =	ssyncset.s32 @!p0 $0xFFFFF086;
	s6 =	sadd.s32 @!p0 s3, s7;
	s7 =	simm.s32 @!p0 $0x108  }
0x21: {  	s3 =	sadd.s32 s3, s9;
	s6 =	sadd.s32 @!p0 $0x88, s6;
	s7 =	simm.s32 @p2 $0x1082  }
0x22: {  	[simem:s7], [sflag:s8] =	dma.local @!p0 [hbm:s6], $0xF7A  }
0x23: {  	s9 =	sor.u32 $0xD0000000, s2;
	s6 =	simm.s32 $0x108;
	_ =	swait.ge @!p0 [sflag:s8], $0x0  }
0x24: {  	s3 =	sadd.s32 $0x88, s3;
	s6 =	simm.s32 @!p1 $0x1082;
	[sflag:s4] =	ssyncset.s32 $0xFFFFF086  }
0x25: {  	[simem:s6], [sflag:s4] =	dma.local [hbm:s3], $0xF7A  }
0x26: {  	[smem:$0x3F9E] =	sst s1;
	(tag) =	ssettag s2;
	_ =	strace s9  }
0x27: {  	s1 =	sld [smem:$0x3FAE]  }
0x28: {  	s2 =	sld [smem:$0x3FAF]  }
0x29: {  	s4 =	sld [smem:$0x3FB1]  }
0x2a: {  	p0 =	seq.s32 s5, $0x0;
	s5 =	sld [smem:$0x3FB2]  }
0x2b: {  	s6 =	sld [smem:$0x3FB3]  }
0x2c: {  	s7 =	sld [smem:$0x3FB4]  }
0x2d: {  	s3 =	simm.s32 $0x108;
	s8 =	sld [smem:$0x3FB5]  }
0x2e: {  	s3 =	simm.s32 @!p0 $0x1082;
	s9 =	sld [smem:$0x3FB6]  }
0x2f: {  	lr =	sadd.s32 s0, s3;
	s0 =	sld [smem:$0x3FAD]  }
0x30: {  	s3 =	sld [smem:$0x3FB0]  }
0x31: {  	[smem:$0x3FB9] =	sst s10  }
0x32: {  	s10 =	sld [smem:$0x3FB7];
	_ =	sdelay $0x3  }
0x33: {  	p0 =	seq.s32 s10, $0x1;
	s10 =	sld [smem:$0x3FB9];
	_ =	sdelay $0x3  }
0x34: {  	[smem:$0x3FB9] =	sst s10  }
0x35: {  	s10 =	sld [smem:$0x3FB8];
	_ =	sdelay $0x3  }
0x36: {  	p1 =	seq.s32 s10, $0x1;
	s10 =	sld [smem:$0x3FB9];
	_ =	sdelay $0x3  }
0x37: {  	[smem:$0x3FB9] =	sst s10  }
0x38: {  	s10 =	sld [smem:$0x3FBA]  }
0x39: {  	_ = 	snop;
	(pc) =	sbr.ind lr, $3  }
0x3a: {  	_ = 	snop  }
0x3b: {  	_ = 	snop  }
0x3c: {  	p2 =	seq.s32 s10, $0x1;
	s10 =	sld [smem:$0x3FB9]  }
0x3d: {  	_ =	shalt  }
0x3e: {  	_ =	shalt  }
0x3f: {  	_ =	shalt  }
0x40: {  	_ =	shalt  }
0x41: {  	_ =	shalt  }
0x42: {  	_ =	shalt  }
0x43: {  	_ =	shalt  }
0x44: {  	_ =	shalt  }
0x45: {  	_ =	shalt  }
0x46: {  	_ =	shalt  }
0x47: {  	_ =	shalt  }
0x48: {  	_ =	shalt  }
0x49: {  	_ =	shalt  }
0x4a: {  	_ =	shalt  }
0x4b: {  	_ =	shalt  }
0x4c: {  	_ =	shalt  }
0x4d: {  	_ =	shalt  }
0x4e: {  	_ =	shalt  }
0x4f: {  	_ =	shalt  }
0x50: {  	_ =	shalt  }
0x51: {  	_ =	shalt  }
0x52: {  	_ =	shalt  }
0x53: {  	_ =	shalt  }
0x54: {  	_ =	shalt  }
0x55: {  	_ =	shalt  }
0x56: {  	_ =	shalt  }
0x57: {  	_ =	shalt  }
0x58: {  	_ =	shalt  }
0x59: {  	_ =	shalt  }
0x5a: {  	_ =	shalt  }
0x5b: {  	_ =	shalt  }
0x5c: {  	_ =	shalt  }
0x5d: {  	_ =	shalt  }
0x5e: {  	_ =	shalt  }
0x5f: {  	_ =	shalt  }
0x60: {  	_ =	shalt  }
0x61: {  	_ =	shalt  }
0x62: {  	_ =	shalt  }
0x63: {  	_ =	shalt  }
0x64: {  	_ =	shalt  }
0x65: {  	_ =	shalt  }
0x66: {  	_ =	shalt  }
0x67: {  	_ =	shalt  }
0x68: {  	_ =	shalt  }
0x69: {  	_ =	shalt  }
0x6a: {  	_ =	shalt  }
0x6b: {  	_ =	shalt  }
0x6c: {  	_ =	shalt  }
0x6d: {  	_ =	shalt  }
0x6e: {  	_ =	shalt  }
0x6f: {  	_ =	shalt  }
0x70: {  	_ =	shalt  }
0x71: {  	_ =	shalt  }
0x72: {  	_ =	shalt  }
0x73: {  	_ =	shalt  }
0x74: {  	_ =	shalt  }
0x75: {  	_ =	shalt  }
0x76: {  	_ =	shalt  }
0x77: {  	_ =	shalt  }
0x78: {  	_ =	shalt  }
0x79: {  	_ =	shalt  }
0x7a: {  	_ =	shalt  }
0x7b: {  	_ =	shalt  }
0x7c: {  	_ =	shalt  }
0x7d: {  	_ =	shalt  }
0x7e: {  	_ =	shalt  }
0x7f: {  	_ =	shalt  }
0x80: {  	_ =	shalt  }
0x81: {  	_ =	shalt  }
0x82: {  	_ =	shalt  }
0x83: {  	_ =	shalt  }
0x84: {  	_ =	shalt  }
0x85: {  	_ =	shalt  }
0x86: {  	_ =	shalt  }
0x87: {  	_ =	shalt  }
.Lfunc_end0:
.L_simem_size_0:
called_computation.1_lowered:
.L_overlay_start_0:
0x88: {  	s2 =	sld [smem:$0x3FD9]  }
0x89: {  	s3 =	sld [smem:$0x3FFE];
	_ =	sdelay $0x1  }
0x8a: {  	s1 =	srdreg.scid  }
0x8b: {  	s0 =	sand.u32 $0x1, s1  }
0x8c: {  	s17 =	sshll.u32 s0, $0xA;
	s2 =	sadd.s32 s3, s2  }
0x8d: {  	s2 =	sadd.s32 s2, s17  }
0x8e: {  	[smem:$0x3FC5] =	sst s2  }
0x8f: {  	_ = 	snop  }
0x90: {  	s2 =	sld [smem:$0x3FD0];
	(tm) =	ssettm $0x1  }
0x91: {  	s18 =	sld [smem:$0x3FFB];
	_ =	sdelay $0x3  }
0x92: {  	_ =	strace s18  }
0x93: {  	s3 =	sld [smem:$0x3FFC];
	_ =	sdelay $0x3  }
0x94: {  	_ =	strace s3  }
0x95: {  	s3 =	sld [smem:$0x3FFD];
	_ =	sdelay $0x3  }
0x96: {  	_ =	strace s3  }
0x97: {  	_ =	strace $0x8FFFFFFF  }
0x98: {  	s19 =	sld [smem:$0x3FDB];
	_ =	sdelay $0x1  }
0x99: {  	s4 =	simm.s32 $_scs_section_size  }
0x9a: {  	s5 =	simm.s32 $_size__tile_overlayer_lowered;
	s6 =	simm.s32 $_tile_overlayer_lowered  }
0x9b: {  	s22 =	simm.s32 $0x1BFF;
	s21 =	sshll.u32 s6, $0x1;
	s3 =	sadd.s32 s4, s19  }
0x9c: {  	s7 =	simm.s32 $0x0;
	s20 =	sshll.u32 s5, $0x1;
	s5 =	sadd.s32 s21, s3  }
0x9d: {  	[timem:s7], [sflag:s22] =	dma.local [hbm:s5], s20  }
0x9e: {  	_ =	swait.ge [sflag:s22], s20  }
0x9f: {  	s4 =	ssub.s32 $0x0, s20;
	[sflag:s22] =	ssyncset.done $0x0  }
0xa0: {  	[sflag:s22] =	ssyncadd.s32 s4;
	_ =	sdelay $0x1  }
0xa1: {  	s23 =	simm.s32 $0x1B8B  }
0xa2: {  	_ =	swait.ge [sflag:s23], $0x1  }
0xa3: {  	[sflag:s23] =	ssyncset.done $0x0  }
0xa4: {  	s25 =	simm.s32 $0x1B8E;
	s24 =	sld [smem:$0x3FFE];
	[sflag:s23] =	ssyncadd.s32 $0xFFFFFFFF  }
0xa5: {  	s26 =	simm.s32 $execute0_lowered;
	[smem:$0x3FD2] =	sst s25  }
0xa6: {  	s5 =	sshll.u32 s26, $0x1;
	_ =	strace $0x80000046;
	[dreg:$0x1] =	wrdreg $0xFFFFFFFF  }
0xa7: {  	s28 =	simm.s32 $_size_execute0_lowered;
	s3 =	sadd.s32 s3, s5;
	[dreg:$0x0] =	wrdreg $0x0  }
0xa8: {  	s5 =	sshll.u32 s28, $0x1;
	[dreg:$0x2] =	wrdreg s3  }
0xa9: {  	[dreg:$0x3] =	wrdreg s5  }
0xaa: {  	[dreg:$0x4] =	wrdreg $0xC0  }
0xab: {  	_ =	task [dreg:s7], $0x5FFFF  }
0xac: {  	[dreg:$0x1] =	wrdreg $0xFFFFFFFF  }
0xad: {  	[dreg:$0x0] =	wrdreg $0x60  }
0xae: {  	[dreg:$0x2] =	wrdreg s24  }
0xaf: {  	[dreg:$0x3] =	wrdreg s2  }
0xb0: {  	[dreg:$0x4] =	wrdreg $0x9  }
0xb1: {  	_ =	task.clear_ibuf [dreg:s7], $0x5FFFF;
	_ =	strace $0x90000046  }
0xb2: {  	s29 =	simm.s32 $0x9;
	_ =	strace $0x80000048  }
0xb3: {  	_ =	swait.ge [sflag:s29], $0x1  }
0xb4: {  	[sflag:s29] =	ssyncadd.s32 $0xFFFFFFFF  }
0xb5: {  	_ =	strace $0x90000048  }
0xb6: {  	_ =	sfence  }
0xb7: {  	s30 =	sld [smem:$0x0];
	_ =	sdelay $0x2  }
0xb8: {  	s31 =	sshll.u32 s1, $0xD;
	s1 =	sshrl.u32 s1, $0x2  }
0xb9: {  	s3 =	sand.u32 $0x4000, s31;
	s1 =	sadd.s32 s1, s30  }
0xba: {  	s0 =	sor.u32 s3, s0;
	s1 =	sshll.u32 s1, $0x11  }
0xbb: {  	s0 =	sor.u32 s1, s0  }
0xbc: {  	s0 =	sadd.s32 $0x8F2B, s0  }
0xbd: {  	[sflag:s0] =	ssyncadd.remote.s32 $0x1  }
0xbe: {  	_ =	sfence.sel $0xFFFF  }
0xbf: {  	[dreg:$0x0] =	wrdreg $0xFFFFFFFF;
	(pc) =	sbr.abs _section_cstart, $3  }
0xc0: {  	[dreg:$0x1] =	wrdreg $0xFFFFFFFF  }
0xc1: {  	_ =	task.clear_ibuf [dreg:s7], $0x2FFFF;
	_ =	strace $0x9FFFFFFF  }
0xc2: {  	(tm) =	ssettm $0x7FFFFFFF  }
0xc3: {  	_ =	shalt  }
tec
execute0_lowered:
.L_overlay_start_1:
0x0: {  	(tag) =	ssettag $0x1  }
0x1: {  	s7 =	rddreg [dreg:$0x0]  }
0x2: {  	s2 =	rddreg [dreg:$0x1]  }
0x3: {  	s0 =	rddreg [dreg:$0x2]  }
0x4: {  	s4 =	srdreg.scid;
	s1 =	stileid.u32;
	s3 =	simm.s32 $0x0  }
0x5: {  	s12 =	simm.s32 $0xCE40;
	s13 =	simm.s32 $0x5;
	s14 =	simm.s32 $0x320  }
0x6: {  	s15 =	simm.s32 $0x640;
	s16 =	simm.s32 $0x6A40;
	s17 =	simm.s32 $0x1  }
0x7: {  	s18 =	simm.s32 $0x2;
	s19 =	simm.s32 $0x3;
	s20 =	simm.s32 $0x4  }
0x8: {  	s21 =	simm.s32 $0x0;
	s8 =	sand.u32 $0x1, s4;
	s31 =	sshll.u32 s1, $0x1  }
0x9: {  	[smem:$0x7FF] =	sst s3;
	s5 =	sadd.s32 $0xC00, s7;
	s4 =	sor.u32 s8, s31  }
0xa: {  	s6 =	sadd.s32 $0xF43000, s7;
	s8 =	ssub.s32 $0x2, s8;
	s4 =	smul.u32 $0x6400, s4  }
0xb: {  	s7 =	sadd.s32 $0x19C00, s7;
	_ =	strace $0x80000047;
	s9 =	sshrl.u32 s8, $0x1  }
0xc: {  	s11 =	ssub.s32 s8, s9;
	s10 =	sshrl.u32 s4, $0x3;
	s9 =	sor.u32 $0x320, s4  }
0xd: {  	s11 =	smax.u32 s11, $0x1;
	s8 =	sadd.s32 s5, s10;
	s10 =	sadd.s32 $0x640, s4  }
.LBB2_1:
0xe: {  	[tilespmem:s12], [sflag:$0x5] =	stream.linear.gather [hbm4b:s7+s3], $0x1900, $0x38;
	[tilespmem:$0xE740] =	vst v63  }
0xf: {  	_ =	swait.ge [sflag:s13], $0x1900  }
0x10: {  	[sflag:s13] =	ssyncset.done $0x0  }
0x11: {  	[sflag:s13] =	ssyncadd.s32 $0xFFFFE700  }
0x12: {  	[tilespmem:s3], [sflag:$0x5] =	stream.linear.gather [hbm4b:s8+s3], $0x320, $0x38;
	[tilespmem:$0xE740] =	vst v63  }
0x13: {  	_ =	swait.ge [sflag:s13], $0x320  }
0x14: {  	[sflag:s13] =	ssyncset.done $0x0  }
0x15: {  	s22 =	simm.s32 $0x0;
	[sflag:s13] =	ssyncadd.s32 $0xFFFFFCE0  }
0x16: {  	[tilespmem:s15], [sflag:$0x1] =	stream.indirect.gather [hbm4b:s6+s14], $0x20, s3, s14, $0xb8;
	[tilespmem:$0xE740] =	vst v63  }
.LBB2_2:
0x17: {  	p0 =	seq.s32 s22, $0x0;
	s24 =	smul.u32 $0x640, s22  }
0x18: {  	s25 =	simm.s32 @!p0 $0x4  }
0x19: {  	_ =	swait.ge @!p0 [sflag:s25], $0x6400;
	s23 =	sadd.s32 s24, s9  }
0x1a: {  	[sflag:s25] =	ssyncset.done @!p0 $0x0;
	s26 =	sshrl.u32 s23, $0x3  }
0x1b: {  	s31 =	simm.s32 $0x0;
	[sflag:s25] =	ssyncadd.s32 @!p0 $0xFFFF9C00;
	s30 =	sadd.s32 s5, s26  }
0x1c: {  	[tilespmem:s14], [sflag:$0x5] =	stream.linear.gather [hbm4b:s30+s31], $0x320, $0x38;
	[tilespmem:$0xE740] =	vst v63  }
0x1d: {  	_ =	swait.ge [sflag:s13], $0x320  }
0x1e: {  	[sflag:s13] =	ssyncset.done $0x0  }
0x1f: {  	[sflag:s13] =	ssyncadd.s32 $0xFFFFFCE0  }
0x20: {  	[tilespmem:s16], [sflag:$0x2] =	stream.indirect.gather [hbm4b:s6+s14], $0x20, s14, s14, $0xb8;
	[tilespmem:$0xE740] =	vst v63  }
0x21: {  	_ =	swait.ge [sflag:s17], $0x6400  }
0x22: {  	[sflag:s17] =	ssyncset.done $0x0  }
0x23: {  	s25 =	simm.s32 $0x0;
	[sflag:s17] =	ssyncadd.s32 $0xFFFF9C00  }
0x24: {  	v1 =	vld [tilespmem:s25+$0xCE40]  }
0x25: {  	v0 =	vld [tilespmem:s25+$0xCE50]  }
0x26: {  	v5 =	vld [tilespmem:s25+$0x640]  }
0x27: {  	v7 =	vld [tilespmem:s25+$0x650]  }
0x28: {  	v6 =	vld [tilespmem:s25+$0x1F40]  }
0x29: {  	v3 =	vld [tilespmem:s25+$0x1F50]  }
0x2a: {  	v2 =	vld [tilespmem:s25+$0x3840]  }
0x2b: {  	v4 =	vld [tilespmem:s25+$0x3850];
	v8 =	vadd.f32 v5, v1  }
0x2c: {  	s26 =	simm.s32 $0x80;
	v7 =	vadd.f32 v7, v0;
	v5 =	vld [tilespmem:s25+$0x5140]  }
.LBB2_3:
0x2d: {  	s28 =	sshra.s32 s26, $0x2;
	p0 =	sne.s32 s26, $0x6380;
	[tilespmem:s25+$0x640] =	vst v8;
	v6 =	vadd.f32 v6, v1;
	v8 =	vld [tilespmem:s25+$0x5150]  }
0x2e: {  	v9 =	vld [tilespmem:s28+$0xCE40];
	[tilespmem:s25+$0x650] =	vst v7;
	v3 =	vadd.f32 v3, v0  }
0x2f: {  	v7 =	vld [tilespmem:s28+$0xCE50];
	[tilespmem:s25+$0x1F40] =	vst v6;
	v2 =	vadd.f32 v2, v1  }
0x30: {  	v10 =	vld [tilespmem:s28+$0x640];
	[tilespmem:s25+$0x1F50] =	vst v3;
	v3 =	vadd.f32 v4, v0  }
0x31: {  	v11 =	vld [tilespmem:s28+$0x650];
	[tilespmem:s25+$0x3840] =	vst v2;
	v2 =	vadd.f32 v5, v1  }
.Ltmp0:
0x32: {  	v6 =	vld [tilespmem:s28+$0x1F40];
	[tilespmem:s25+$0x3850] =	vst v3;
	v4 =	vadd.f32 v8, v0;
	(pc) =	sbr.rel @p0 .LBB2_3-.Ltmp0, $4  }
0x33: {  	v3 =	vld [tilespmem:s28+$0x1F50];
	[tilespmem:s25+$0x5140] =	vst v2;
	v1 =	vmov v9  }
0x34: {  	v2 =	vld [tilespmem:s28+$0x3840];
	[tilespmem:s25+$0x5150] =	vst v4;
	v0 =	vmov v7;
	s25 =	smov.u32 s28  }
0x35: {  	v8 =	vadd.f32 v10, v1;
	v4 =	vld [tilespmem:s25+$0x3850]  }
0x36: {  	s26 =	sadd.s32 $0x80, s26;
	v7 =	vadd.f32 v11, v0;
	v5 =	vld [tilespmem:s25+$0x5140]  }
0x37: {  	[tilespmem:s25+$0x640] =	vst v8;
	v6 =	vadd.f32 v6, v1;
	v8 =	vld [tilespmem:s25+$0x5150]  }
0x38: {  	[tilespmem:s25+$0x650] =	vst v7;
	v3 =	vadd.f32 v3, v0  }
0x39: {  	[tilespmem:s25+$0x1F40] =	vst v6;
	v2 =	vadd.f32 v2, v1  }
0x3a: {  	[tilespmem:s25+$0x1F50] =	vst v3;
	v3 =	vadd.f32 v4, v0  }
0x3b: {  	[tilespmem:s25+$0x3840] =	vst v2;
	v1 =	vadd.f32 v5, v1  }
0x3c: {  	s26 =	sadd.s32 s4, s24;
	[tilespmem:s25+$0x3850] =	vst v3;
	v0 =	vadd.f32 v8, v0  }
0x3d: {  	p0 =	seq.s32 s22, $0xF;
	s26 =	sshll.u32 s26, $0x2;
	[tilespmem:s25+$0x5140] =	vst v1  }
0x3e: {  	s31 =	sadd.s32 s2, s26;
	[tilespmem:s25+$0x5150] =	vst v0;
	s25 =	simm.s32 @!p0 $0x3  }
0x3f: {  	[hbm4b:s31+s3] =	stream.linear.scatter [tilespmem:s15], [sflag:$0x3], $0x6400, $0x38;
	[tilespmem:$0xE740] =	vst v63  }
0x40: {  	s24 =	sadd.s32 @!p0 s24, s10;
	_ =	swait.ge @!p0 [sflag:s25], $0x6400  }
0x41: {  	s24 =	sshrl.u32 @!p0 s24, $0x3;
	[sflag:s25] =	ssyncset.done @!p0 $0x0  }
0x42: {  	s24 =	sadd.s32 @!p0 s5, s24;
	[sflag:s25] =	ssyncadd.s32 @!p0 $0xFFFF9C00;
	s25 =	simm.s32 @!p0 $0x0  }
0x43: {  	[tilespmem:s25], [sflag:$0x5] =	stream.linear.gather @!p0 [hbm4b:s24+s25], $0x320, $0x38;
	[tilespmem:$0xE740] =	vst v63  }
0x44: {  	s24 =	simm.s32 @!p0 $0x5  }
0x45: {  	_ =	swait.ge @!p0 [sflag:s24], $0x320  }
0x46: {  	[sflag:s24] =	ssyncset.done @!p0 $0x0  }
0x47: {  	s26 =	simm.s32 @!p0 $0x640;
	[sflag:s24] =	ssyncadd.s32 @!p0 $0xFFFFFCE0;
	s24 =	simm.s32 @!p0 $0x320  }
0x48: {  	[tilespmem:s26], [sflag:$0x1] =	stream.indirect.gather @!p0 [hbm4b:s6+s24], $0x20, s25, s24, $0xb8;
	[tilespmem:$0xE740] =	vst v63  }
0x49: {  	_ =	swait.ge [sflag:s18], $0x6400  }
0x4a: {  	[sflag:s18] =	ssyncset.done $0x0  }
0x4b: {  	s24 =	simm.s32 $0x0;
	[sflag:s18] =	ssyncadd.s32 $0xFFFF9C00  }
0x4c: {  	v1 =	vld [tilespmem:s24+$0xCE40]  }
0x4d: {  	v0 =	vld [tilespmem:s24+$0xCE50]  }
0x4e: {  	v5 =	vld [tilespmem:s24+$0x6A40]  }
0x4f: {  	v7 =	vld [tilespmem:s24+$0x6A50]  }
0x50: {  	v6 =	vld [tilespmem:s24+$0x8340]  }
0x51: {  	v3 =	vld [tilespmem:s24+$0x8350]  }
0x52: {  	v2 =	vld [tilespmem:s24+$0x9C40]  }
0x53: {  	v4 =	vld [tilespmem:s24+$0x9C50];
	v8 =	vadd.f32 v5, v1  }
0x54: {  	s25 =	simm.s32 $0x80;
	v7 =	vadd.f32 v7, v0;
	v5 =	vld [tilespmem:s24+$0xB540]  }
.LBB2_5:
0x55: {  	s26 =	sshra.s32 s25, $0x2;
	p0 =	sne.s32 s25, $0x6380;
	[tilespmem:s24+$0x6A40] =	vst v8;
	v6 =	vadd.f32 v6, v1;
	v8 =	vld [tilespmem:s24+$0xB550]  }
0x56: {  	v9 =	vld [tilespmem:s26+$0xCE40];
	[tilespmem:s24+$0x6A50] =	vst v7;
	v3 =	vadd.f32 v3, v0  }
0x57: {  	v7 =	vld [tilespmem:s26+$0xCE50];
	[tilespmem:s24+$0x8340] =	vst v6;
	v2 =	vadd.f32 v2, v1  }
0x58: {  	v10 =	vld [tilespmem:s26+$0x6A40];
	[tilespmem:s24+$0x8350] =	vst v3;
	v3 =	vadd.f32 v4, v0  }
0x59: {  	v11 =	vld [tilespmem:s26+$0x6A50];
	[tilespmem:s24+$0x9C40] =	vst v2;
	v2 =	vadd.f32 v5, v1  }
.Ltmp1:
0x5a: {  	v6 =	vld [tilespmem:s26+$0x8340];
	[tilespmem:s24+$0x9C50] =	vst v3;
	v4 =	vadd.f32 v8, v0;
	(pc) =	sbr.rel @p0 .LBB2_5-.Ltmp1, $4  }
0x5b: {  	v3 =	vld [tilespmem:s26+$0x8350];
	[tilespmem:s24+$0xB540] =	vst v2;
	v1 =	vmov v9  }
0x5c: {  	v2 =	vld [tilespmem:s26+$0x9C40];
	[tilespmem:s24+$0xB550] =	vst v4;
	v0 =	vmov v7;
	s24 =	smov.u32 s26  }
0x5d: {  	v8 =	vadd.f32 v10, v1;
	v4 =	vld [tilespmem:s24+$0x9C50]  }
0x5e: {  	s25 =	sadd.s32 $0x80, s25;
	v7 =	vadd.f32 v11, v0;
	v5 =	vld [tilespmem:s24+$0xB540]  }
0x5f: {  	[tilespmem:s24+$0x6A40] =	vst v8;
	v6 =	vadd.f32 v6, v1;
	v60 =	vld [tilespmem:s24+$0xB550]  }
0x60: {  	[tilespmem:s24+$0x6A50] =	vst v7;
	v3 =	vadd.f32 v3, v0  }
0x61: {  	s22 =	sadd.s32 $0x1, s22;
	[tilespmem:s24+$0x8340] =	vst v6;
	v2 =	vadd.f32 v2, v1  }
0x62: {  	p0 =	sne.s32 s22, $0x10;
	[tilespmem:s24+$0x8350] =	vst v3;
	v61 =	vadd.f32 v4, v0  }
.Ltmp2:
0x63: {  	[tilespmem:s24+$0x9C40] =	vst v2;
	v62 =	vadd.f32 v5, v1;
	(pc) =	sbr.rel @p0 .LBB2_2-.Ltmp2, $4  }
0x64: {  	s23 =	sshll.u32 s23, $0x2;
	[tilespmem:s24+$0x9C50] =	vst v61;
	v63 =	vadd.f32 v60, v0  }
0x65: {  	s23 =	sand.u32 $0x1FFFFF80, s23;
	[tilespmem:s24+$0xB540] =	vst v62  }
0x66: {  	s23 =	sadd.s32 s2, s23;
	[tilespmem:s24+$0xB550] =	vst v63  }
0x67: {  	[hbm4b:s23+s3] =	stream.linear.scatter [tilespmem:s16], [sflag:$0x4], $0x6400, $0x38;
	[tilespmem:$0xE740] =	vst v63  }
0x68: {  	s21 =	sadd.s32 $0x1, s21  }
0x69: {  	_ =	swait.ge [sflag:s19], $0x6400;
	p0 =	sne.s32 s21, s11  }
.Ltmp3:
0x6a: {  	[sflag:s19] =	ssyncset.done $0x0;
	(pc) =	sbr.rel @p0 .LBB2_1-.Ltmp3, $4  }
0x6b: {  	[sflag:s19] =	ssyncadd.s32 $0xFFFF9C00  }
0x6c: {  	_ =	swait.ge [sflag:s20], $0x6400  }
0x6d: {  	[sflag:s20] =	ssyncset.done $0x0  }
0x6e: {  	[sflag:s20] =	ssyncadd.s32 $0xFFFF9C00  }
0x6f: {  	_ =	sfence.sel $0x180000  }
0x70: {  	[bflag:$0x0] =	sbarrier.arrive $0xFFFF  }
0x71: {  	p0 =	sne.s32 s1, $0x0;
	_ =	strace $0x90000047  }
0x72: {  	s0 =	sadd.s32 @!p0 $0x100000, s0;
	[bflag:$0x2] =	sbarrier.arrive $0xFFFF  }
0x73: {  	[sflag:s0] =	ssyncadd.tile.s32 @!p0 $0x1;
	_ =	shalt  }
.Lfunc_end2:
_tile_overlayer_lowered:
.L_overlay_start_2:
0x74: {  	(tag) =	ssettag $0x2  }
0x75: {  	s0 =	rddreg [dreg:$0x0];
	s2 =	stileid.u32  }
0x76: {  	s1 =	rddreg [dreg:$0x1];
	p0 =	sne.s32 s2, $0x0  }
0x77: {  	s3 =	rddreg [dreg:$0x2];
	[bflag:$0x3] =	sbarrier.arrive $0xFFFF;
	s2 =	simm.s32 @!p0 $0x1C05  }
0x78: {  	[timem:s3], [sflag:s2] =	dma.local @!p0 [hbm:s0], s1  }
0x79: {  	s0 =	simm.s32 @!p0 $0x5  }
0x7a: {  	_ =	swait.ge @!p0 [sflag:s0], s1  }
0x7b: {  	s1 =	ssub.s32 @!p0 $0x0, s1;
	[sflag:s0] =	ssyncset.done @!p0 $0x0  }
0x7c: {  	[sflag:s0] =	ssyncadd.s32 @!p0 s1  }
0x7d: {  	[bflag:$0x3] =	sbarrier.arrive $0xFFFF  }
0x7e: {  	_ =	shalt  }

// kernel: sparse-core-data-format-call.cloned.1.call-start
scs
called_computation_lowered:
.L_overlay_start_0:
0x0: {  	s2 =	sld [smem:$0x3FD9]  }
0x1: {  	s3 =	sld [smem:$0x3FFE];
	_ =	sdelay $0x1  }
0x2: {  	s1 =	srdreg.scid  }
0x3: {  	s0 =	sand.u32 $0x1, s1  }
0x4: {  	s18 =	sshll.u32 s0, $0xA;
	s2 =	sadd.s32 s3, s2  }
0x5: {  	s2 =	sadd.s32 s2, s18  }
0x6: {  	[smem:$0x3FC5] =	sst s2  }
0x7: {  	_ = 	snop  }
0x8: {  	s2 =	sld [smem:$0x3FD0];
	(tm) =	ssettm $0x1  }
0x9: {  	s19 =	sld [smem:$0x3FFB];
	_ =	sdelay $0x3  }
0xa: {  	_ =	strace s19  }
0xb: {  	s3 =	sld [smem:$0x3FFC];
	_ =	sdelay $0x3  }
0xc: {  	_ =	strace s3  }
0xd: {  	s3 =	sld [smem:$0x3FFD];
	_ =	sdelay $0x3  }
0xe: {  	_ =	strace s3  }
0xf: {  	_ =	strace $0x8FFFFFFF  }
0x10: {  	s20 =	sld [smem:$0x3FDB];
	_ =	sdelay $0x1  }
0x11: {  	s4 =	simm.s32 $_scs_section_size  }
0x12: {  	s5 =	simm.s32 $_size__tile_overlayer_lowered;
	s6 =	simm.s32 $_tile_overlayer_lowered  }
0x13: {  	s23 =	simm.s32 $0x1BFF;
	s22 =	sshll.u32 s6, $0x1;
	s3 =	sadd.s32 s4, s20  }
0x14: {  	s7 =	simm.s32 $0x0;
	s21 =	sshll.u32 s5, $0x1;
	s5 =	sadd.s32 s22, s3  }
0x15: {  	[timem:s7], [sflag:s23] =	dma.local [hbm:s5], s21  }
0x16: {  	_ =	swait.ge [sflag:s23], s21  }
0x17: {  	s4 =	ssub.s32 $0x0, s21;
	[sflag:s23] =	ssyncset.done $0x0  }
0x18: {  	[sflag:s23] =	ssyncadd.s32 s4;
	_ =	sdelay $0x1  }
0x19: {  	s24 =	simm.s32 $0x1B8B  }
0x1a: {  	_ =	swait.ge [sflag:s24], $0x1  }
0x1b: {  	[sflag:s24] =	ssyncset.done $0x0  }
0x1c: {  	s26 =	simm.s32 $0x1B8E;
	s25 =	sld [smem:$0x3FFE];
	[sflag:s24] =	ssyncadd.s32 $0xFFFFFFFF  }
0x1d: {  	s27 =	simm.s32 $execute0_lowered;
	[smem:$0x3FD2] =	sst s26  }
0x1e: {  	s5 =	sshll.u32 s27, $0x1;
	_ =	strace $0x80000049;
	[dreg:$0x1] =	wrdreg $0xFFFFFFFF  }
0x1f: {  	s28 =	simm.s32 $_size_execute0_lowered;
	s3 =	sadd.s32 s3, s5;
	[dreg:$0x0] =	wrdreg $0x0  }
0x20: {  	s5 =	sshll.u32 s28, $0x1;
	[dreg:$0x2] =	wrdreg s3  }
0x21: {  	[dreg:$0x3] =	wrdreg s5  }
0x22: {  	[dreg:$0x4] =	wrdreg $0xC0  }
0x23: {  	_ =	task [dreg:s7], $0x5FFFF  }
0x24: {  	[dreg:$0x1] =	wrdreg $0xFFFFFFFF  }
0x25: {  	[dreg:$0x0] =	wrdreg $0x60  }
0x26: {  	[dreg:$0x2] =	wrdreg s25  }
0x27: {  	[dreg:$0x3] =	wrdreg s2  }
0x28: {  	[dreg:$0x4] =	wrdreg $0x9  }
0x29: {  	_ =	task.clear_ibuf [dreg:s7], $0x5FFFF;
	_ =	strace $0x90000049  }
0x2a: {  	s29 =	simm.s32 $0x9;
	_ =	strace $0x8000004B  }
0x2b: {  	_ =	swait.ge [sflag:s29], $0x1  }
0x2c: {  	[sflag:s29] =	ssyncadd.s32 $0xFFFFFFFF  }
0x2d: {  	_ =	strace $0x9000004B  }
0x2e: {  	_ =	sfence  }
0x2f: {  	s30 =	sld [smem:$0x0];
	_ =	sdelay $0x2  }
0x30: {  	s31 =	sshll.u32 s1, $0xD;
	s1 =	sshrl.u32 s1, $0x2  }
0x31: {  	s3 =	sand.u32 $0x4000, s31;
	s1 =	sadd.s32 s1, s30  }
0x32: {  	s0 =	sor.u32 s3, s0;
	s1 =	sshll.u32 s1, $0x11  }
0x33: {  	s0 =	sor.u32 s1, s0  }
0x34: {  	s0 =	sadd.s32 $0x8F2B, s0  }
0x35: {  	[sflag:s0] =	ssyncadd.remote.s32 $0x1  }
0x36: {  	_ =	sfence.sel $0xFFFF  }
0x37: {  	[dreg:$0x0] =	wrdreg $0xFFFFFFFF;
	(pc) =	sbr.abs _section_cstart, $3  }
0x38: {  	[dreg:$0x1] =	wrdreg $0xFFFFFFFF  }
0x39: {  	_ =	task.clear_ibuf [dreg:s7], $0x2FFFF;
	_ =	strace $0x9FFFFFFF  }
0x3a: {  	(tm) =	ssettm $0x7FFFFFFF  }
0x3b: {  	_ =	shalt  }
tec
execute0_lowered:
.L_overlay_start_1:
0x0: {  	(tag) =	ssettag $0x1  }
0x1: {  	s0 =	srdreg.scid  }
0x2: {  	s1 =	sshll.u32 s0, $0x4  }
0x3: {  	s0 =	stileid.u32;
	s1 =	sand.u32 $0x10, s1  }
0x4: {  	s1 =	sor.u32 s0, s1  }
0x5: {  	s6 =	rddreg [dreg:$0x0];
	s4 =	simm.s32 $0x1;
	s2 =	sshll.u32 s1, $0x7  }
0x6: {  	s7 =	simm.s32 $0x2;
	s12 =	simm.s32 $0x0;
	s1 =	ssub.s32 $0x1000, s2  }
0x7: {  	s8 =	simm.s32 $0x8000;
	s13 =	simm.s32 $0x0;
	s3 =	sand.u32 $0xF80, s1  }
0x8: {  	s9 =	simm.s32 $0x0;
	s5 =	sshrl.u32 s1, $0xC;
	p0 =	sne.s32 s3, $0x0  }
.Ltmp0:
0x9: {  	s1 =	rddreg [dreg:$0x2];
	s4 =	simm.s32 @!p0 $0x0;
	(pc) =	sbr.rel .LBB1_1-.Ltmp0, $4  }
0xa: {  	s11 =	simm.s32 $0x0;
	s3 =	rddreg [dreg:$0x1];
	s5 =	sadd.s32 s4, s5  }
0xb: {  	_ =	strace $0x8000004A;
	s4 =	simm.s32 $0x1;
	s5 =	smul.u32 $0xC8, s5  }
0xc: {  	s6 =	sadd.s32 $0xC00, s6;
	s10 =	smov.u32 s2;
	[sflag:s4] =	ssyncpa.u1 $0x0  }
0xd: {  	p0 =	por $0x0, $0x0;
	[sflag:s7] =	ssyncpa.u1 $0x0;
	s7 =	sor.u32 $0x1, s5  }
.LBB1_4:
0xe: {  	s16 =	sshll.u32 s13, $0x3;
	s17 =	sand.u32 $0x78, s13  }
0xf: {  	s30 =	sand.u32 $0x3E00, s13;
	s12 =	sshll.u32 s12, $0xE;
	s16 =	sand.u32 $0xC00, s16  }
0x10: {  	s31 =	sand.u32 $0x7, s13;
	s16 =	sor.u32 s17, s16;
	s17 =	sadd.s32 s3, s30  }
0x11: {  	s13 =	sshll.u32 s31, $0x12;
	s16 =	sshrl.u32 s16, $0x3;
	s12 =	sadd.s32 s12, s17  }
0x12: {  	[tilespmem:s15+$0x0 ss:$0x81] =	vst.msk $0xffff, v0;
	s13 =	sor.u32 $0x400, s13;
	s12 =	sadd.s32 s16, s12  }
0x13: {  	[hbm4b:s12+s13] =	stream.strided.scatter [tilespmem:s14], [sflag:$0x2], $0x1000, s8, s13, $0x20;
	[tilespmem:$0x4040] =	vst v63  }
.LBB1_5:
0x14: {  	s14 =	sadd.s32 $0x1, s9  }
0x15: {  	s12 =	sadd.s32 $0x1000, s10;
	s16 =	smov.u32 s10;
	p2 =	sgt.s32 s14, $0xC7  }
0x16: {  	s16 =	smov.u32 @p2 s12  }
0x17: {  	s14 =	simm.s32 @p2 $0x0;
	p2 =	sgt.s32 s16, $0xFFF  }
0x18: {  	s16 =	smov.u32 @p2 s2;
	p2 =	sne.s32 s11, s7  }
.Ltmp1:
0x19: {  	p1 =	slt.u32 s11, $0x2;
	(pc) =	sbr.rel @!p2 .LBB1_6-.Ltmp1, $4  }
0x1a: {  	s15 =	simm.s32 @!p1 $0x2  }
0x1b: {  	s13 =	smov.u32 s10;
	p0 =	por !p0, !p0;
	_ =	swait.ge @!p1 [sflag:s15], $0x1000  }
0x1c: {  	s12 =	smov.u32 s9;
	[sflag:s15] =	ssyncset.done @!p1 $0x0;
	s9 =	smov.u32 s14  }
0x1d: {  	s11 =	sadd.s32 $0x1, s11;
	[sflag:s15] =	ssyncadd.s32 @!p1 $0xFFFFF000;
	s10 =	smov.u32 s16  }
.LBB1_1:
0x1e: {  	p1 =	sge.u32 s11, s5  }
0x1f: {  	s14 =	sand.u32 @!p1 $0x1FFFFFF, s9  }
0x20: {  	s15 =	smulhi.u32 @!p1 $0x147AE15, s14;
	_ =	sdelay $0x1  }
0x21: {  	s15 =	smul.u32 @!p1 $0xC8, s15  }
0x22: {  	s16 =	sxor.u32 @!p1 $0xFFFFFFFF, s11;
	s17 =	smul.u32 @!p1 $0xC80, s10  }
0x23: {  	s31 =	sadd.s32 $0xFFFFFFFF, s11;
	s16 =	sshll.u32 @!p1 s16, $0xC;
	s14 =	ssub.s32 @!p1 s14, s15  }
0x24: {  	s15 =	sand.u32 @!p1 $0x1000, s16;
	s16 =	sadd.s32 @!p1 s6, s17;
	s14 =	sshll.u32 @!p1 s14, $0x4  }
0x25: {  	s17 =	simm.s32 @!p1 $0x6400;
	s14 =	sadd.s32 @!p1 s14, s16;
	s16 =	simm.s32 @!p1 $0x20  }
0x26: {  	[tilespmem:s15], [sflag:$0x1] =	stream.strided.gather @!p1 [hbm4b:s14+s16], $0x1000, s17, s16, $0x38;
	[tilespmem:$0x4040] =	vst v63  }
0x27: {  	p1 =	sge.u32 s31, s5  }
.Ltmp2:
0x28: {  	_ = 	snop;
	(pc) =	sbr.rel @p1 .LBB1_5-.Ltmp2, $1  }
0x29: {  	_ =	sdelay $0x3  }
0x2a: {  	s14 =	simm.s32 $0x1  }
0x2b: {  	_ =	swait.ge [sflag:s4], $0x1000;
	s14 =	simm.s32 @!p0 $0x0  }
0x2c: {  	[sflag:s4] =	ssyncset.done $0x0;
	s15 =	sshll.u32 s14, $0xC  }
0x2d: {  	[sflag:s4] =	ssyncadd.s32 $0xFFFFF000;
	s18 =	sor.u32 $0x10, s15  }
0x2e: {  	s14 =	smul.u32 $0x4080, s14;
	v1 =	vld [tilespmem:s18+$0x0]  }
0x2f: {  	s30 =	sand.u32 $0x1, s11;
	v0 =	vld [tilespmem:s18+$0xFFFFFFF0]  }
0x30: {  	s15 =	smul.u32 $0x4080, s30;
	s14 =	sshrl.u32 s14, $0x2  }
0x31: {  	s16 =	sor.u32 $0x2000, s14  }
0x32: {  	s31 =	sshrl.u32 s15, $0x2;
	s15 =	sadd.s32 $0x0, s16  }
0x33: {  	s17 =	simm.s32 $0x4;
	s18 =	sadd.s32 $0x20, s18;
	s14 =	sor.u32 $0x2000, s31;
	[tilespmem:s15+$0x810 ss:$0x81] =	vst.msk $0xffff, v1  }
.LBB1_3:
0x34: {  	v1 =	vld [tilespmem:s18+$0x0];
	p1 =	sne.s32 s17, $0x1FC;
	[tilespmem:s15+$0x0 ss:$0x81] =	vst.msk $0xffff, v0;
	s15 =	smov.u32 s17;
	s17 =	sadd.s32 $0x4, s17  }
.Ltmp3:
0x35: {  	v0 =	vld [tilespmem:s18+$0xFFFFFFF0];
	(pc) =	sbr.rel @p1 .LBB1_3-.Ltmp3, $4  }
0x36: {  	_ = 	snop  }
0x37: {  	s15 =	sshra.s32 s15, $0x2  }
0x38: {  	s15 =	sadd.s32 s15, s16  }
0x39: {  	s18 =	sadd.s32 $0x20, s18;
	[tilespmem:s15+$0x810 ss:$0x81] =	vst.msk $0xffff, v1  }
.Ltmp4:
0x3a: {  	_ = 	snop;
	(pc) =	sbr.rel .LBB1_4-.Ltmp4, $1  }
0x3b: {  	_ =	sdelay $0x3  }
.LBB1_6:
0x3c: {  	_ =	sfence.sel $0x180000  }
0x3d: {  	s2 =	simm.s32 $0x1;
	[bflag:$0x0] =	sbarrier.arrive $0xFFFF  }
0x3e: {  	s31 =	simm.s32 $0x2;
	[sflag:s2] =	ssyncpa.u1 $0x1  }
0x3f: {  	[sflag:s31] =	ssyncpa.u1 $0x1  }
0x40: {  	p0 =	sne.s32 s0, $0x0;
	_ =	strace $0x9000004A  }
0x41: {  	s0 =	sadd.s32 @!p0 $0x100000, s1;
	[bflag:$0x2] =	sbarrier.arrive $0xFFFF  }
0x42: {  	[sflag:s0] =	ssyncadd.tile.s32 @!p0 $0x1;
	_ =	shalt  }
.Lfunc_end1:
_tile_overlayer_lowered:
.L_overlay_start_2:
0x43: {  	(tag) =	ssettag $0x2  }
0x44: {  	s0 =	rddreg [dreg:$0x0];
	s2 =	stileid.u32  }
0x45: {  	s1 =	rddreg [dreg:$0x1];
	p0 =	sne.s32 s2, $0x0  }
0x46: {  	s3 =	rddreg [dreg:$0x2];
	[bflag:$0x3] =	sbarrier.arrive $0xFFFF;
	s2 =	simm.s32 @!p0 $0x1C01  }
0x47: {  	[timem:s3], [sflag:s2] =	dma.local @!p0 [hbm:s0], s1  }
0x48: {  	s0 =	simm.s32 @!p0 $0x1  }
0x49: {  	_ =	swait.ge @!p0 [sflag:s0], s1  }
0x4a: {  	s1 =	ssub.s32 @!p0 $0x0, s1;
	[sflag:s0] =	ssyncset.done @!p0 $0x0  }
0x4b: {  	[sflag:s0] =	ssyncadd.s32 @!p0 s1  }
0x4c: {  	[bflag:$0x3] =	sbarrier.arrive $0xFFFF  }
0x4d: {  	_ =	shalt  }

</sc_bundles>
